<compile_context>
chip_gen: v7x
topology: tpu7x:2x2x1
jax: 0.10.2.dev20260603
libtpu: 0.0.44.dev20260713+nightly
codegen_flags: <defaults>
</compile_context>

<pallas_src>
import functools

import jax
import jax.numpy as jnp
from jax import lax
from jax.experimental import pallas as pl
from jax.experimental.pallas import tpu as pltpu
from jax.experimental.pallas import tpu_sc as plsc

N = 10000
E = 320000
D = 128
G = 256

NC = 2
NS = 16
NW = NC * NS

N_PAD = 10240
PAD_DST = 10200
E_PAD = 327680
EROWS = E_PAD // 128
EROWS_PER_W = EROWS // NW
ROWS_PER_TILE = N_PAD // NS
CW = 128


CROWS = 16
EROWS_C = (2304, 256)
ERPT_C = (EROWS_C[0] // NS, EROWS_C[1] // NS)


def _sc_agg(x_hbm, src_hbm, dst_hbm, z2d_hbm, out_hbm,
            idx_s, idx_d, rows_a, rows_b, sem_a, sem_b, sem_sa, sem_sb, acc):
    cid = lax.axis_index("c")
    sid = lax.axis_index("s")

    base = sid * ROWS_PER_TILE
    pltpu.sync_copy(z2d_hbm.at[pl.ds(base, ROWS_PER_TILE)],
                    acc.at[pl.ds(base, ROWS_PER_TILE)])
    plsc.subcore_barrier()

    tile_row0 = jnp.where(cid == 0, sid * ERPT_C[0],
                          EROWS_C[0] + sid * ERPT_C[1])
    nchunk = jnp.where(cid == 0, ERPT_C[0] // CROWS, ERPT_C[1] // CROWS)

    @pl.loop(0, nchunk)
    def _(c):
        erow0 = pl.multiple_of(tile_row0 + c * CROWS, 8)
        pltpu.sync_copy(src_hbm.at[pl.ds(erow0, CROWS)],
                        idx_s.at[pl.ds(0, CROWS)])
        pltpu.sync_copy(src_hbm.at[pl.ds(0, 2)],
                        idx_s.at[pl.ds(CROWS, 2)])
        pltpu.sync_copy(dst_hbm.at[pl.ds(erow0, CROWS)], idx_d)

        pltpu.async_copy(x_hbm.at[idx_s.at[0]], rows_a, sem_a)
        pltpu.async_copy(x_hbm.at[idx_s.at[1]], rows_b, sem_b)

        @pl.loop(0, CROWS // 2)
        def _(jj):
            j = 2 * jj
            pltpu.make_async_copy(x_hbm.at[idx_s.at[j]], rows_a, sem_a).wait()
            pltpu.async_copy(rows_a, acc.at[idx_d.at[j]], sem_sa, add=True)
            pltpu.make_async_copy(x_hbm.at[idx_s.at[j + 1]], rows_b,
                                  sem_b).wait()
            pltpu.async_copy(rows_b, acc.at[idx_d.at[j + 1]], sem_sb, add=True)
            pltpu.make_async_copy(rows_a, acc.at[idx_d.at[j]], sem_sa).wait()
            pltpu.async_copy(x_hbm.at[idx_s.at[j + 2]], rows_a, sem_a)
            pltpu.make_async_copy(rows_b, acc.at[idx_d.at[j + 1]],
                                  sem_sb).wait()
            pltpu.async_copy(x_hbm.at[idx_s.at[j + 3]], rows_b, sem_b)

        pltpu.make_async_copy(x_hbm.at[idx_s.at[CROWS]], rows_a, sem_a).wait()
        pltpu.make_async_copy(x_hbm.at[idx_s.at[CROWS + 1]], rows_b,
                              sem_b).wait()

    plsc.subcore_barrier()

    pltpu.sync_copy(acc.at[pl.ds(base, ROWS_PER_TILE)],
                    out_hbm.at[cid, pl.ds(base, ROWS_PER_TILE)])


def _sc_cnt(dst_hbm, zc_hbm, ones_hbm, cnt_hbm, idx_d, ones_v, cnt, sem):
    cid = lax.axis_index("c")
    sid = lax.axis_index("s")
    wid = sid * NC + cid

    base = sid * ROWS_PER_TILE
    pltpu.sync_copy(zc_hbm.at[pl.ds(base, ROWS_PER_TILE)],
                    cnt.at[pl.ds(base, ROWS_PER_TILE)])
    pltpu.sync_copy(ones_hbm, ones_v)
    plsc.subcore_barrier()

    erow0 = wid * EROWS_PER_W
    pltpu.sync_copy(dst_hbm.at[pl.ds(erow0, EROWS_PER_W)], idx_d)

    @pl.loop(0, EROWS_PER_W)
    def _(j):
        pltpu.sync_copy(ones_v, cnt.at[idx_d.at[j]], add=True)

    plsc.subcore_barrier()
    pltpu.sync_copy(cnt.at[pl.ds(base, ROWS_PER_TILE)],
                    cnt_hbm.at[cid, pl.ds(base, ROWS_PER_TILE)])


@functools.lru_cache(maxsize=None)
def _sc_agg_call():
    mesh = plsc.VectorSubcoreMesh(core_axis_name="c", subcore_axis_name="s",
                                  num_cores=NC, num_subcores=NS)
    return pl.kernel(
        _sc_agg,
        out_type=[jax.ShapeDtypeStruct((NC, N_PAD, D), jnp.float32)],
        mesh=mesh,
        scratch_types=[
            pltpu.VMEM((CROWS + 2, 128), jnp.int32),
            pltpu.VMEM((CROWS, 128), jnp.int32),
            pltpu.VMEM((128, D), jnp.float32),
            pltpu.VMEM((128, D), jnp.float32),
            pltpu.SemaphoreType.DMA,
            pltpu.SemaphoreType.DMA,
            pltpu.SemaphoreType.DMA,
            pltpu.SemaphoreType.DMA,
            pltpu.VMEM_SHARED((N_PAD, D), jnp.float32),
        ],
        name="sc_seg_agg")


@functools.lru_cache(maxsize=None)
def _sc_cnt_call():
    mesh = plsc.VectorSubcoreMesh(core_axis_name="c", subcore_axis_name="s",
                                  num_cores=NC, num_subcores=NS)
    return pl.kernel(
        _sc_cnt,
        out_type=[jax.ShapeDtypeStruct((NC, N_PAD, CW), jnp.float32)],
        mesh=mesh,
        scratch_types=[
            pltpu.VMEM((EROWS_PER_W, 128), jnp.int32),
            pltpu.VMEM((128, CW), jnp.float32),
            pltpu.VMEM_SHARED((N_PAD, CW), jnp.float32),
            pltpu.SemaphoreType.DMA,
        ],
        name="sc_seg_cnt")



BLK = 2000
NBLK = N // BLK


def _tc_layer(parts_ref, cnt_ref, x_ref, wl_ref, wr_ref, b_ref, o_ref):
    s = parts_ref[0] + parts_ref[1]
    deg = cnt_ref[0, :, 0:1] + cnt_ref[1, :, 0:1]
    mean = s / jnp.maximum(deg, 1.0)
    h = jnp.dot(mean, wl_ref[...], preferred_element_type=jnp.float32)
    h = h + jnp.dot(x_ref[...], wr_ref[...], preferred_element_type=jnp.float32)
    o_ref[...] = jnp.maximum(h + b_ref[...], 0.0)


def _tc_layer_call(parts, cnt, x, wl, wr, b):
    return pl.pallas_call(
        _tc_layer,
        grid=(NBLK,),
        in_specs=[
            pl.BlockSpec((NC, BLK, D), lambda i: (0, i, 0)),
            pl.BlockSpec((NC, BLK, CW), lambda i: (0, i, 0)),
            pl.BlockSpec((BLK, D), lambda i: (i, 0)),
            pl.BlockSpec((D, D), lambda i: (0, 0)),
            pl.BlockSpec((D, D), lambda i: (0, 0)),
            pl.BlockSpec((1, D), lambda i: (0, 0)),
        ],
        out_specs=pl.BlockSpec((BLK, D), lambda i: (i, 0)),
        out_shape=jax.ShapeDtypeStruct((N, D), jnp.float32),
    )(parts, cnt, x, wl, wr, b)


def _tc_final(parts_ref, cnt_ref, h1_ref, wl_ref, wr_ref, b_ref,
              batch_ref, w3_ref, b3_ref, w4_ref, b4_ref, o_ref,
              pool_acc, cntg_acc):
    i = pl.program_id(0)
    s = parts_ref[0] + parts_ref[1]
    deg = cnt_ref[0, :, 0:1] + cnt_ref[1, :, 0:1]
    mean = s / jnp.maximum(deg, 1.0)
    h = jnp.dot(mean, wl_ref[...], preferred_element_type=jnp.float32)
    h = h + jnp.dot(h1_ref[...], wr_ref[...], preferred_element_type=jnp.float32)
    h2 = jnp.maximum(h + b_ref[...], 0.0)

    giota = lax.broadcasted_iota(jnp.int32, (G, BLK), 0)
    onehot_t = (giota == batch_ref[0]).astype(jnp.float32)

    @pl.when(i == 0)
    def _():
        pool_acc[...] = jnp.zeros_like(pool_acc)
        cntg_acc[...] = jnp.zeros_like(cntg_acc)

    pool_acc[...] += jnp.dot(onehot_t, h2, preferred_element_type=jnp.float32)
    cntg_acc[...] += jnp.sum(onehot_t, axis=1, keepdims=True)

    @pl.when(i == NBLK - 1)
    def _():
        pooled = pool_acc[...] / jnp.maximum(cntg_acc[...], 1.0)
        z = jnp.dot(pooled, w3_ref[...], preferred_element_type=jnp.float32)
        z = jnp.maximum(z + b3_ref[...], 0.0)
        o_ref[...] = jnp.dot(z, w4_ref[...],
                             preferred_element_type=jnp.float32) + b4_ref[...]


def _tc_final_call(parts, cnt, h1, wl, wr, b, batch3, w3, b3, w4, b4):
    return pl.pallas_call(
        _tc_final,
        grid=(NBLK,),
        in_specs=[
            pl.BlockSpec((NC, BLK, D), lambda i: (0, i, 0)),
            pl.BlockSpec((NC, BLK, CW), lambda i: (0, i, 0)),
            pl.BlockSpec((BLK, D), lambda i: (i, 0)),
            pl.BlockSpec((D, D), lambda i: (0, 0)),
            pl.BlockSpec((D, D), lambda i: (0, 0)),
            pl.BlockSpec((1, D), lambda i: (0, 0)),
            pl.BlockSpec((1, 1, BLK), lambda i: (i, 0, 0)),
            pl.BlockSpec((D, D), lambda i: (0, 0)),
            pl.BlockSpec((1, D), lambda i: (0, 0)),
            pl.BlockSpec((D, D), lambda i: (0, 0)),
            pl.BlockSpec((1, D), lambda i: (0, 0)),
        ],
        out_specs=pl.BlockSpec((G, D), lambda i: (0, 0)),
        out_shape=jax.ShapeDtypeStruct((G, D), jnp.float32),
        scratch_shapes=[
            pltpu.VMEM((G, D), jnp.float32),
            pltpu.VMEM((G, 1), jnp.float32),
        ],
    )(parts, cnt, h1, wl, wr, b, batch3, w3, b3, w4, b4)


def kernel(x, edge_index, batch, W1l, b1l, W1r, W2l, b2l, W2r, W3, b3, W4, b4):
    src = edge_index[0]
    dst = edge_index[1]
    npad = E_PAD - E
    src2 = jnp.concatenate(
        [src, jnp.zeros((npad,), jnp.int32)]).reshape(EROWS, 128)
    dst2 = jnp.concatenate(
        [dst, jnp.full((npad,), PAD_DST, jnp.int32)]).reshape(EROWS, 128)
    z2d = jnp.zeros((N_PAD, D), jnp.float32)
    ones = jnp.ones((128, CW), jnp.float32)

    (cnt,) = _sc_cnt_call()(dst2, z2d, ones)
    (parts1,) = _sc_agg_call()(x, src2, dst2, z2d)
    h1 = _tc_layer_call(parts1, cnt, x, W1l, W1r, b1l.reshape(1, D))
    (parts2,) = _sc_agg_call()(h1, src2, dst2, z2d)
    batch3 = batch.reshape(NBLK, 1, BLK)
    return _tc_final_call(parts2, cnt, h1, W2l, W2r, b2l.reshape(1, D),
                          batch3, W3, b3.reshape(1, D), W4, b4.reshape(1, D))

# --- scband reference (transcript-rebuilt; emitter-appended) ---
"""Pipeline reference for scband-gnnnext-activity-45767171506442 (READ-ONLY COPY).

The authoritative reference and input builder live on the scoring server;
editing this copy changes nothing except your own understanding.
"""

import jax, jax.numpy as jnp
import numpy as np

N_NODES = 10000
N_EDGES = 320000
D_FEAT = 128
D_HID = 128
D_OUT = 128
N_GRAPHS = 256


def setup_inputs(seed: int = 0) -> dict:
    key = jax.random.key(seed)
    ks = jax.random.split(key, 16)
    x = jax.random.normal(ks[0], (N_NODES, D_FEAT), dtype=jnp.float32)
    edge_index = jax.random.randint(ks[1], (2, N_EDGES), 0, N_NODES, dtype=jnp.int32)
    batch = jnp.sort(jax.random.randint(ks[2], (N_NODES,), 0, N_GRAPHS, dtype=jnp.int32))
    s1 = 1.0 / np.sqrt(D_FEAT)
    s2 = 1.0 / np.sqrt(D_HID)
    W1l = jax.random.uniform(ks[3], (D_FEAT, D_HID), jnp.float32, -s1, s1)
    b1l = jax.random.uniform(ks[4], (D_HID,), jnp.float32, -s1, s1)
    W1r = jax.random.uniform(ks[5], (D_FEAT, D_HID), jnp.float32, -s1, s1)
    W2l = jax.random.uniform(ks[6], (D_HID, D_HID), jnp.float32, -s2, s2)
    b2l = jax.random.uniform(ks[7], (D_HID,), jnp.float32, -s2, s2)
    W2r = jax.random.uniform(ks[8], (D_HID, D_HID), jnp.float32, -s2, s2)
    W3 = jax.random.uniform(ks[9], (D_HID, D_HID), jnp.float32, -s2, s2)
    b3 = jax.random.uniform(ks[10], (D_HID,), jnp.float32, -s2, s2)
    W4 = jax.random.uniform(ks[11], (D_HID, D_OUT), jnp.float32, -s2, s2)
    b4 = jax.random.uniform(ks[12], (D_OUT,), jnp.float32, -s2, s2)
    return {"x": x, "edge_index": edge_index, "batch": batch,
            "W1l": W1l, "b1l": b1l, "W1r": W1r,
            "W2l": W2l, "b2l": b2l, "W2r": W2r,
            "W3": W3, "b3": b3, "W4": W4, "b4": b4}


def _sage_conv(x, edge_index, Wl, bl, Wr):
    # PyG SAGEConv with mean aggregation: out = lin_l(mean_j x_j) + lin_r(x_i)
    src = edge_index[0]
    dst = edge_index[1]
    n = x.shape[0]
    agg = jax.ops.segment_sum(x[src], dst, num_segments=n)
    cnt = jax.ops.segment_sum(jnp.ones((edge_index.shape[1], 1), dtype=x.dtype), dst, num_segments=n)
    mean = agg / jnp.maximum(cnt, 1.0)
    return mean @ Wl + bl + x @ Wr


def reference(x, edge_index, batch, W1l, b1l, W1r, W2l, b2l, W2r, W3, b3, W4, b4):
    h = jax.nn.relu(_sage_conv(x, edge_index, W1l, b1l, W1r))
    # dropout is identity in eval mode
    h = jax.nn.relu(_sage_conv(h, edge_index, W2l, b2l, W2r))
    # global_mean_pool over batch segment ids
    sums = jax.ops.segment_sum(h, batch, num_segments=N_GRAPHS)
    cnts = jax.ops.segment_sum(jnp.ones((h.shape[0], 1), dtype=h.dtype), batch, num_segments=N_GRAPHS)
    pooled = sums / jnp.maximum(cnts, 1.0)
    # MLP head
    z = jax.nn.relu(pooled @ W3 + b3)
    logits = z @ W4 + b4
    return logits

if __name__ == "__main__":
    import jax
    _d = setup_inputs()
    print(jax.jit(kernel)(*tuple(_d.values())))

</pallas_src>

<mosaic_0001>
#map = affine_map<(d0, d1) -> (0, 0)>
#map1 = affine_map<(d0, d1) -> (0, 0, 0)>
module attributes {stable_mosaic.version = 14 : i64} {
  func.func @sc_seg_agg(%arg0: i32, %arg1: i32, %arg2: memref<10000x128xf32, #tpu.memory_space<hbm>>, %arg3: memref<2560x128xi32, #tpu.memory_space<hbm>>, %arg4: memref<2560x128xi32, #tpu.memory_space<hbm>>, %arg5: memref<10240x128xf32, #tpu.memory_space<hbm>>, %arg6: memref<2x10240x128xf32, #tpu.memory_space<hbm>>, %arg7: memref<18x128xi32, #tpu.memory_space<vmem>>, %arg8: memref<16x128xi32, #tpu.memory_space<vmem>>, %arg9: memref<128x128xf32, #tpu.memory_space<vmem>>, %arg10: memref<128x128xf32, #tpu.memory_space<vmem>>, %arg11: memref<!tpu.dma_semaphore, #tpu.memory_space<semaphore_mem>>, %arg12: memref<!tpu.dma_semaphore, #tpu.memory_space<semaphore_mem>>, %arg13: memref<!tpu.dma_semaphore, #tpu.memory_space<semaphore_mem>>, %arg14: memref<!tpu.dma_semaphore, #tpu.memory_space<semaphore_mem>>, %arg15: memref<10240x128xf32, #tpu.memory_space<vmem_shared>>) attributes {dimension_semantics = [#tpu.dimension_semantics<core_parallel>, #tpu.dimension_semantics<subcore_parallel>], iteration_bounds = array<i64: 2, 16>, scalar_prefetch = 0 : i64, scratch_operands = 9 : i64, tpu.core_type = #tpu.core_type<sc_vector_subcore>, window_params = [{transform_indices = #map}, {transform_indices = #map}, {transform_indices = #map}, {transform_indices = #map}, {transform_indices = #map1}]} {
    %mul3A = arith.constant 640 : i32
    %mul3A_0 = arith.muli %arg1, %mul3A : i32
    "tpu.region"() ({
      %run_scoped3A = tpu.sem_alloc : memref<!tpu.dma_semaphore, #tpu.memory_space<semaphore_mem>>
      %dma_start3A = arith.constant 0 : i32
      %dma_start3A_28 = tpu.memref_slice %arg15[%mul3A_0, %dma_start3A] : memref<10240x128xf32, #tpu.memory_space<vmem_shared>> -> memref<640x128xf32, #tpu.memory_space<vmem_shared>>
      %dma_start3A_29 = arith.constant 0 : i32
      %dma_start3A_30 = tpu.memref_slice %arg5[%mul3A_0, %dma_start3A_29] : memref<10240x128xf32, #tpu.memory_space<hbm>> -> memref<640x128xf32, #tpu.memory_space<hbm>>
      tpu.enqueue_dma source(%dma_start3A_30 : memref<640x128xf32, #tpu.memory_space<hbm>>) target(%dma_start3A_28 : memref<640x128xf32, #tpu.memory_space<vmem_shared>>) target_semaphore(%run_scoped3A : memref<!tpu.dma_semaphore, #tpu.memory_space<semaphore_mem>>)
      %dma_wait3A = arith.constant 0 : i32
      %dma_wait3A_31 = tpu.memref_slice %arg15[%mul3A_0, %dma_wait3A] : memref<10240x128xf32, #tpu.memory_space<vmem_shared>> -> memref<640x128xf32, #tpu.memory_space<vmem_shared>>
      %dma_wait3A_32 = arith.constant 0 : i32
      %dma_wait3A_33 = tpu.memref_slice %arg5[%mul3A_0, %dma_wait3A_32] : memref<10240x128xf32, #tpu.memory_space<hbm>> -> memref<640x128xf32, #tpu.memory_space<hbm>>
      tpu.wait_dma2 semaphore(%run_scoped3A : memref<!tpu.dma_semaphore, #tpu.memory_space<semaphore_mem>>) src(%dma_wait3A_33 : memref<640x128xf32, #tpu.memory_space<hbm>>) dst(%dma_wait3A_31 : memref<640x128xf32, #tpu.memory_space<vmem_shared>>)
      tpu.yield
    }) : () -> ()
    %barrier3A = arith.constant 0 : index
    tpu.barrier barrier_id(%barrier3A)
    %eq3A = arith.constant 0 : i32
    %eq3A_1 = arith.cmpi eq, %arg0, %eq3A : i32
    %mul3A_2 = arith.constant 144 : i32
    %mul3A_3 = arith.muli %arg1, %mul3A_2 : i32
    %mul3A_4 = arith.constant 16 : i32
    %mul3A_5 = arith.muli %arg1, %mul3A_4 : i32
    %add3A = arith.constant 2304 : i32
    %add3A_6 = arith.addi %add3A, %mul3A_5 : i32
    %select_n3A = arith.select %eq3A_1, %mul3A_3, %add3A_6 : i32
    %eq3A_7 = arith.constant 0 : i32
    %eq3A_8 = arith.cmpi eq, %arg0, %eq3A_7 : i32
    %jit3A = arith.constant 9 : i32
    %jit3A_9 = arith.constant 1 : i32
    %select_n3A_10 = arith.select %eq3A_8, %jit3A, %jit3A_9 : i32
    %sub3A = arith.constant 0 : i32
    %sub3A_11 = arith.subi %select_n3A_10, %sub3A : i32
    %sub3A_12 = arith.constant 1 : i32
    %sub3A_13 = arith.constant 1 : i32
    %sub3A_14 = arith.subi %sub3A_12, %sub3A_13 : i32
    %add3A_15 = arith.addi %sub3A_11, %sub3A_14 : i32
    %div3A = arith.constant 1 : i32
    %div3A_16 = arith.divsi %add3A_15, %div3A : i32
    %while3A = arith.constant 1 : i32
    %while3A_17 = arith.constant 0 : i32
    %while3A_18 = arith.constant 0 : i32
    %while3A_19 = arith.subi %div3A_16, %while3A_18 : i32
    %while3A_20 = arith.addi %while3A_18, %while3A_19 : i32
    %while3A_21 = arith.constant 1 : i32
    %while3A_22 = arith.divsi %while3A_19, %while3A_21 : i32
    %while3A_23 = arith.muli %while3A_22, %while3A_21 : i32
    %while3A_24 = arith.addi %while3A_18, %while3A_23 : i32
    %while3A_25 = arith.constant 1 : i32
    scf.for %while3A_28 = %while3A_18 to %while3A_24 step %while3A_25  : i32 {
      %mul3A_29 = arith.muli %while3A_28, %while3A : i32
      %add3A_30 = arith.addi %while3A_17, %mul3A_29 : i32
      %mul3A_31 = arith.constant 16 : i32
      %mul3A_32 = arith.muli %add3A_30, %mul3A_31 : i32
      %add3A_33 = arith.addi %select_n3A, %mul3A_32 : i32
      %multiple_of3A = tpu.assume_multiple %add3A_33, 8 : i32
      "tpu.region"() ({
        %run_scoped3A = tpu.sem_alloc : memref<!tpu.dma_semaphore, #tpu.memory_space<semaphore_mem>>
        %dma_start3A_64 = arith.constant 0 : i32
        %dma_start3A_65 = arith.constant 0 : i32
        %dma_start3A_66 = tpu.memref_slice %arg7[%dma_start3A_64, %dma_start3A_65] : memref<18x128xi32, #tpu.memory_space<vmem>> -> memref<16x128xi32, #tpu.memory_space<vmem>>
        %dma_start3A_67 = arith.constant 0 : i32
        %dma_start3A_68 = tpu.memref_slice %arg3[%multiple_of3A, %dma_start3A_67] : memref<2560x128xi32, #tpu.memory_space<hbm>> -> memref<16x128xi32, #tpu.memory_space<hbm>>
        %dma_start3A_69 = arith.constant 0 : i32
        %dma_start3A_70 = arith.constant 0 : i32
        %dma_start3A_71 = tpu.memref_slice %arg7[%dma_start3A_69, %dma_start3A_70] : memref<18x128xi32, #tpu.memory_space<vmem>> -> memref<16x128xi32, #tpu.memory_space<vmem>>
        %dma_start3A_72 = arith.constant 0 : i32
        %dma_start3A_73 = tpu.memref_slice %arg3[%multiple_of3A, %dma_start3A_72] : memref<2560x128xi32, #tpu.memory_space<hbm>> -> memref<16x128xi32, #tpu.memory_space<hbm>>
        tpu.enqueue_dma source(%dma_start3A_73 : memref<16x128xi32, #tpu.memory_space<hbm>>) target(%dma_start3A_71 : memref<16x128xi32, #tpu.memory_space<vmem>>) target_semaphore(%run_scoped3A : memref<!tpu.dma_semaphore, #tpu.memory_space<semaphore_mem>>)
        %dma_wait3A_74 = arith.constant 0 : i32
        %dma_wait3A_75 = arith.constant 0 : i32
        %dma_wait3A_76 = tpu.memref_slice %arg7[%dma_wait3A_74, %dma_wait3A_75] : memref<18x128xi32, #tpu.memory_space<vmem>> -> memref<16x128xi32, #tpu.memory_space<vmem>>
        %dma_wait3A_77 = arith.constant 0 : i32
        %dma_wait3A_78 = tpu.memref_slice %arg3[%multiple_of3A, %dma_wait3A_77] : memref<2560x128xi32, #tpu.memory_space<hbm>> -> memref<16x128xi32, #tpu.memory_space<hbm>>
        %dma_wait3A_79 = arith.constant 0 : i32
        %dma_wait3A_80 = arith.constant 0 : i32
        %dma_wait3A_81 = tpu.memref_slice %arg7[%dma_wait3A_79, %dma_wait3A_80] : memref<18x128xi32, #tpu.memory_space<vmem>> -> memref<16x128xi32, #tpu.memory_space<vmem>>
        %dma_wait3A_82 = arith.constant 0 : i32
        %dma_wait3A_83 = tpu.memref_slice %arg3[%multiple_of3A, %dma_wait3A_82] : memref<2560x128xi32, #tpu.memory_space<hbm>> -> memref<16x128xi32, #tpu.memory_space<hbm>>
        tpu.wait_dma2 semaphore(%run_scoped3A : memref<!tpu.dma_semaphore, #tpu.memory_space<semaphore_mem>>) src(%dma_wait3A_83 : memref<16x128xi32, #tpu.memory_space<hbm>>) dst(%dma_wait3A_81 : memref<16x128xi32, #tpu.memory_space<vmem>>)
        tpu.yield
      }) : () -> ()
      "tpu.region"() ({
        %run_scoped3A = tpu.sem_alloc : memref<!tpu.dma_semaphore, #tpu.memory_space<semaphore_mem>>
        %dma_start3A_64 = arith.constant 16 : i32
        %dma_start3A_65 = arith.constant 0 : i32
        %dma_start3A_66 = tpu.memref_slice %arg7[%dma_start3A_64, %dma_start3A_65] : memref<18x128xi32, #tpu.memory_space<vmem>> -> memref<2x128xi32, #tpu.memory_space<vmem>>
        %dma_start3A_67 = arith.constant 0 : i32
        %dma_start3A_68 = arith.constant 0 : i32
        %dma_start3A_69 = tpu.memref_slice %arg3[%dma_start3A_67, %dma_start3A_68] : memref<2560x128xi32, #tpu.memory_space<hbm>> -> memref<2x128xi32, #tpu.memory_space<hbm>>
        %dma_start3A_70 = arith.constant 16 : i32
        %dma_start3A_71 = arith.constant 0 : i32
        %dma_start3A_72 = tpu.memref_slice %arg7[%dma_start3A_70, %dma_start3A_71] : memref<18x128xi32, #tpu.memory_space<vmem>> -> memref<2x128xi32, #tpu.memory_space<vmem>>
        %dma_start3A_73 = arith.constant 0 : i32
        %dma_start3A_74 = arith.constant 0 : i32
        %dma_start3A_75 = tpu.memref_slice %arg3[%dma_start3A_73, %dma_start3A_74] : memref<2560x128xi32, #tpu.memory_space<hbm>> -> memref<2x128xi32, #tpu.memory_space<hbm>>
        tpu.enqueue_dma source(%dma_start3A_75 : memref<2x128xi32, #tpu.memory_space<hbm>>) target(%dma_start3A_72 : memref<2x128xi32, #tpu.memory_space<vmem>>) target_semaphore(%run_scoped3A : memref<!tpu.dma_semaphore, #tpu.memory_space<semaphore_mem>>)
        %dma_wait3A_76 = arith.constant 16 : i32
        %dma_wait3A_77 = arith.constant 0 : i32
        %dma_wait3A_78 = tpu.memref_slice %arg7[%dma_wait3A_76, %dma_wait3A_77] : memref<18x128xi32, #tpu.memory_space<vmem>> -> memref<2x128xi32, #tpu.memory_space<vmem>>
        %dma_wait3A_79 = arith.constant 0 : i32
        %dma_wait3A_80 = arith.constant 0 : i32
        %dma_wait3A_81 = tpu.memref_slice %arg3[%dma_wait3A_79, %dma_wait3A_80] : memref<2560x128xi32, #tpu.memory_space<hbm>> -> memref<2x128xi32, #tpu.memory_space<hbm>>
        %dma_wait3A_82 = arith.constant 16 : i32
        %dma_wait3A_83 = arith.constant 0 : i32
        %dma_wait3A_84 = tpu.memref_slice %arg7[%dma_wait3A_82, %dma_wait3A_83] : memref<18x128xi32, #tpu.memory_space<vmem>> -> memref<2x128xi32, #tpu.memory_space<vmem>>
        %dma_wait3A_85 = arith.constant 0 : i32
        %dma_wait3A_86 = arith.constant 0 : i32
        %dma_wait3A_87 = tpu.memref_slice %arg3[%dma_wait3A_85, %dma_wait3A_86] : memref<2560x128xi32, #tpu.memory_space<hbm>> -> memref<2x128xi32, #tpu.memory_space<hbm>>
        tpu.wait_dma2 semaphore(%run_scoped3A : memref<!tpu.dma_semaphore, #tpu.memory_space<semaphore_mem>>) src(%dma_wait3A_87 : memref<2x128xi32, #tpu.memory_space<hbm>>) dst(%dma_wait3A_84 : memref<2x128xi32, #tpu.memory_space<vmem>>)
        tpu.yield
      }) : () -> ()
      "tpu.region"() ({
        %run_scoped3A = tpu.sem_alloc : memref<!tpu.dma_semaphore, #tpu.memory_space<semaphore_mem>>
        %dma_start3A_64 = arith.constant 0 : i32
        %dma_start3A_65 = tpu.memref_slice %arg4[%multiple_of3A, %dma_start3A_64] : memref<2560x128xi32, #tpu.memory_space<hbm>> -> memref<16x128xi32, #tpu.memory_space<hbm>>
        %dma_start3A_66 = arith.constant 0 : i32
        %dma_start3A_67 = tpu.memref_slice %arg4[%multiple_of3A, %dma_start3A_66] : memref<2560x128xi32, #tpu.memory_space<hbm>> -> memref<16x128xi32, #tpu.memory_space<hbm>>
        tpu.enqueue_dma source(%dma_start3A_67 : memref<16x128xi32, #tpu.memory_space<hbm>>) target(%arg8 : memref<16x128xi32, #tpu.memory_space<vmem>>) target_semaphore(%run_scoped3A : memref<!tpu.dma_semaphore, #tpu.memory_space<semaphore_mem>>)
        %dma_wait3A_68 = arith.constant 0 : i32
        %dma_wait3A_69 = tpu.memref_slice %arg4[%multiple_of3A, %dma_wait3A_68] : memref<2560x128xi32, #tpu.memory_space<hbm>> -> memref<16x128xi32, #tpu.memory_space<hbm>>
        %dma_wait3A_70 = arith.constant 0 : i32
        %dma_wait3A_71 = tpu.memref_slice %arg4[%multiple_of3A, %dma_wait3A_70] : memref<2560x128xi32, #tpu.memory_space<hbm>> -> memref<16x128xi32, #tpu.memory_space<hbm>>
        tpu.wait_dma2 semaphore(%run_scoped3A : memref<!tpu.dma_semaphore, #tpu.memory_space<semaphore_mem>>) src(%dma_wait3A_71 : memref<16x128xi32, #tpu.memory_space<hbm>>) dst(%arg8 : memref<16x128xi32, #tpu.memory_space<vmem>>)
        tpu.yield
      }) : () -> ()
      %dma_start3A = arith.constant 0 : i32
      %dma_start3A_34 = arith.constant 0 : i32
      %dma_start3A_35 = tpu.memref_slice %arg7[%dma_start3A, %dma_start3A_34] : memref<18x128xi32, #tpu.memory_space<vmem>> -> memref<1x128xi32, #tpu.memory_space<vmem>>
      %dma_start3A_36 = tpu.memref_squeeze %dma_start3A_35 : memref<1x128xi32, #tpu.memory_space<vmem>> -> memref<128xi32, #tpu.memory_space<vmem>>
      %dma_start3A_37 = arith.constant 0 : i32
      %dma_start3A_38 = arith.constant 0 : i32
      %dma_start3A_39 = tpu.memref_slice %arg2[%dma_start3A_37, %dma_start3A_38] : memref<10000x128xf32, #tpu.memory_space<hbm>> -> memref<10000x128xf32, #tpu.memory_space<hbm>>
      tpu.enqueue_indirect_dma source(%dma_start3A_39 : memref<10000x128xf32, #tpu.memory_space<hbm>>) target(%arg9 : memref<128x128xf32, #tpu.memory_space<vmem>>) offsets(%dma_start3A_36 : memref<128xi32, #tpu.memory_space<vmem>>) semaphore(%arg11 : memref<!tpu.dma_semaphore, #tpu.memory_space<semaphore_mem>>)
      %dma_start3A_40 = arith.constant 1 : i32
      %dma_start3A_41 = arith.constant 0 : i32
      %dma_start3A_42 = tpu.memref_slice %arg7[%dma_start3A_40, %dma_start3A_41] : memref<18x128xi32, #tpu.memory_space<vmem>> -> memref<1x128xi32, #tpu.memory_space<vmem>>
      %dma_start3A_43 = tpu.memref_squeeze %dma_start3A_42 : memref<1x128xi32, #tpu.memory_space<vmem>> -> memref<128xi32, #tpu.memory_space<vmem>>
      %dma_start3A_44 = arith.constant 0 : i32
      %dma_start3A_45 = arith.constant 0 : i32
      %dma_start3A_46 = tpu.memref_slice %arg2[%dma_start3A_44, %dma_start3A_45] : memref<10000x128xf32, #tpu.memory_space<hbm>> -> memref<10000x128xf32, #tpu.memory_space<hbm>>
      tpu.enqueue_indirect_dma source(%dma_start3A_46 : memref<10000x128xf32, #tpu.memory_space<hbm>>) target(%arg10 : memref<128x128xf32, #tpu.memory_space<vmem>>) offsets(%dma_start3A_43 : memref<128xi32, #tpu.memory_space<vmem>>) semaphore(%arg12 : memref<!tpu.dma_semaphore, #tpu.memory_space<semaphore_mem>>)
      %scan3A = arith.constant 0 : i32
      %scan3A_47 = arith.constant 8 : i32
      %scan3A_48 = arith.addi %scan3A, %scan3A_47 : i32
      %scan3A_49 = arith.constant 1 : i32
      scf.for %scan3A_64 = %scan3A to %scan3A_48 step %scan3A_49  : i32 {
        %mul3A_65 = arith.constant 1 : i32
        %mul3A_66 = arith.muli %scan3A_64, %mul3A_65 : i32
        %add3A_67 = arith.constant 0 : i32
        %add3A_68 = arith.addi %add3A_67, %mul3A_66 : i32
        %mul3A_69 = arith.constant 2 : i32
        %mul3A_70 = arith.muli %mul3A_69, %add3A_68 : i32
        %dma_wait3A_71 = arith.constant 0 : i32
        %dma_wait3A_72 = tpu.memref_slice %arg7[%mul3A_70, %dma_wait3A_71] : memref<18x128xi32, #tpu.memory_space<vmem>> -> memref<1x128xi32, #tpu.memory_space<vmem>>
        %dma_wait3A_73 = tpu.memref_squeeze %dma_wait3A_72 : memref<1x128xi32, #tpu.memory_space<vmem>> -> memref<128xi32, #tpu.memory_space<vmem>>
        %dma_wait3A_74 = arith.constant 0 : i32
        %dma_wait3A_75 = arith.constant 0 : i32
        %dma_wait3A_76 = tpu.memref_slice %arg2[%dma_wait3A_74, %dma_wait3A_75] : memref<10000x128xf32, #tpu.memory_space<hbm>> -> memref<10000x128xf32, #tpu.memory_space<hbm>>
        tpu.wait_indirect_dma semaphore(%arg11 : memref<!tpu.dma_semaphore, #tpu.memory_space<semaphore_mem>>) src(%dma_wait3A_76 : memref<10000x128xf32, #tpu.memory_space<hbm>>) dst(%arg9 : memref<128x128xf32, #tpu.memory_space<vmem>>)
        %dma_start3A_77 = arith.constant 0 : i32
        %dma_start3A_78 = tpu.memref_slice %arg8[%mul3A_70, %dma_start3A_77] : memref<16x128xi32, #tpu.memory_space<vmem>> -> memref<1x128xi32, #tpu.memory_space<vmem>>
        %dma_start3A_79 = tpu.memref_squeeze %dma_start3A_78 : memref<1x128xi32, #tpu.memory_space<vmem>> -> memref<128xi32, #tpu.memory_space<vmem>>
        %dma_start3A_80 = arith.constant 0 : i32
        %dma_start3A_81 = arith.constant 0 : i32
        %dma_start3A_82 = tpu.memref_slice %arg15[%dma_start3A_80, %dma_start3A_81] : memref<10240x128xf32, #tpu.memory_space<vmem_shared>> -> memref<10240x128xf32, #tpu.memory_space<vmem_shared>>
        tpu.enqueue_indirect_dma source(%arg9 : memref<128x128xf32, #tpu.memory_space<vmem>>) target(%dma_start3A_82 : memref<10240x128xf32, #tpu.memory_space<vmem_shared>>) offsets(%dma_start3A_79 : memref<128xi32, #tpu.memory_space<vmem>>) semaphore(%arg13 : memref<!tpu.dma_semaphore, #tpu.memory_space<semaphore_mem>>) {add = true}
        %add3A_83 = arith.constant 1 : i32
        %add3A_84 = arith.addi %mul3A_70, %add3A_83 : i32
        %dma_wait3A_85 = arith.constant 0 : i32
        %dma_wait3A_86 = tpu.memref_slice %arg7[%add3A_84, %dma_wait3A_85] : memref<18x128xi32, #tpu.memory_space<vmem>> -> memref<1x128xi32, #tpu.memory_space<vmem>>
        %dma_wait3A_87 = tpu.memref_squeeze %dma_wait3A_86 : memref<1x128xi32, #tpu.memory_space<vmem>> -> memref<128xi32, #tpu.memory_space<vmem>>
        %dma_wait3A_88 = arith.constant 0 : i32
        %dma_wait3A_89 = arith.constant 0 : i32
        %dma_wait3A_90 = tpu.memref_slice %arg2[%dma_wait3A_88, %dma_wait3A_89] : memref<10000x128xf32, #tpu.memory_space<hbm>> -> memref<10000x128xf32, #tpu.memory_space<hbm>>
        tpu.wait_indirect_dma semaphore(%arg12 : memref<!tpu.dma_semaphore, #tpu.memory_space<semaphore_mem>>) src(%dma_wait3A_90 : memref<10000x128xf32, #tpu.memory_space<hbm>>) dst(%arg10 : memref<128x128xf32, #tpu.memory_space<vmem>>)
        %add3A_91 = arith.constant 1 : i32
        %add3A_92 = arith.addi %mul3A_70, %add3A_91 : i32
        %dma_start3A_93 = arith.constant 0 : i32
        %dma_start3A_94 = tpu.memref_slice %arg8[%add3A_92, %dma_start3A_93] : memref<16x128xi32, #tpu.memory_space<vmem>> -> memref<1x128xi32, #tpu.memory_space<vmem>>
        %dma_start3A_95 = tpu.memref_squeeze %dma_start3A_94 : memref<1x128xi32, #tpu.memory_space<vmem>> -> memref<128xi32, #tpu.memory_space<vmem>>
        %dma_start3A_96 = arith.constant 0 : i32
        %dma_start3A_97 = arith.constant 0 : i32
        %dma_start3A_98 = tpu.memref_slice %arg15[%dma_start3A_96, %dma_start3A_97] : memref<10240x128xf32, #tpu.memory_space<vmem_shared>> -> memref<10240x128xf32, #tpu.memory_space<vmem_shared>>
        tpu.enqueue_indirect_dma source(%arg10 : memref<128x128xf32, #tpu.memory_space<vmem>>) target(%dma_start3A_98 : memref<10240x128xf32, #tpu.memory_space<vmem_shared>>) offsets(%dma_start3A_95 : memref<128xi32, #tpu.memory_space<vmem>>) semaphore(%arg14 : memref<!tpu.dma_semaphore, #tpu.memory_space<semaphore_mem>>) {add = true}
        %dma_wait3A_99 = arith.constant 0 : i32
        %dma_wait3A_100 = tpu.memref_slice %arg8[%mul3A_70, %dma_wait3A_99] : memref<16x128xi32, #tpu.memory_space<vmem>> -> memref<1x128xi32, #tpu.memory_space<vmem>>
        %dma_wait3A_101 = tpu.memref_squeeze %dma_wait3A_100 : memref<1x128xi32, #tpu.memory_space<vmem>> -> memref<128xi32, #tpu.memory_space<vmem>>
        %dma_wait3A_102 = arith.constant 0 : i32
        %dma_wait3A_103 = arith.constant 0 : i32
        %dma_wait3A_104 = tpu.memref_slice %arg15[%dma_wait3A_102, %dma_wait3A_103] : memref<10240x128xf32, #tpu.memory_space<vmem_shared>> -> memref<10240x128xf32, #tpu.memory_space<vmem_shared>>
        tpu.wait_indirect_dma semaphore(%arg13 : memref<!tpu.dma_semaphore, #tpu.memory_space<semaphore_mem>>) src(%arg9 : memref<128x128xf32, #tpu.memory_space<vmem>>) dst(%dma_wait3A_104 : memref<10240x128xf32, #tpu.memory_space<vmem_shared>>)
        %add3A_105 = arith.constant 2 : i32
        %add3A_106 = arith.addi %mul3A_70, %add3A_105 : i32
        %dma_start3A_107 = arith.constant 0 : i32
        %dma_start3A_108 = tpu.memref_slice %arg7[%add3A_106, %dma_start3A_107] : memref<18x128xi32, #tpu.memory_space<vmem>> -> memref<1x128xi32, #tpu.memory_space<vmem>>
        %dma_start3A_109 = tpu.memref_squeeze %dma_start3A_108 : memref<1x128xi32, #tpu.memory_space<vmem>> -> memref<128xi32, #tpu.memory_space<vmem>>
        %dma_start3A_110 = arith.constant 0 : i32
        %dma_start3A_111 = arith.constant 0 : i32
        %dma_start3A_112 = tpu.memref_slice %arg2[%dma_start3A_110, %dma_start3A_111] : memref<10000x128xf32, #tpu.memory_space<hbm>> -> memref<10000x128xf32, #tpu.memory_space<hbm>>
        tpu.enqueue_indirect_dma source(%dma_start3A_112 : memref<10000x128xf32, #tpu.memory_space<hbm>>) target(%arg9 : memref<128x128xf32, #tpu.memory_space<vmem>>) offsets(%dma_start3A_109 : memref<128xi32, #tpu.memory_space<vmem>>) semaphore(%arg11 : memref<!tpu.dma_semaphore, #tpu.memory_space<semaphore_mem>>)
        %add3A_113 = arith.constant 1 : i32
        %add3A_114 = arith.addi %mul3A_70, %add3A_113 : i32
        %dma_wait3A_115 = arith.constant 0 : i32
        %dma_wait3A_116 = tpu.memref_slice %arg8[%add3A_114, %dma_wait3A_115] : memref<16x128xi32, #tpu.memory_space<vmem>> -> memref<1x128xi32, #tpu.memory_space<vmem>>
        %dma_wait3A_117 = tpu.memref_squeeze %dma_wait3A_116 : memref<1x128xi32, #tpu.memory_space<vmem>> -> memref<128xi32, #tpu.memory_space<vmem>>
        %dma_wait3A_118 = arith.constant 0 : i32
        %dma_wait3A_119 = arith.constant 0 : i32
        %dma_wait3A_120 = tpu.memref_slice %arg15[%dma_wait3A_118, %dma_wait3A_119] : memref<10240x128xf32, #tpu.memory_space<vmem_shared>> -> memref<10240x128xf32, #tpu.memory_space<vmem_shared>>
        tpu.wait_indirect_dma semaphore(%arg14 : memref<!tpu.dma_semaphore, #tpu.memory_space<semaphore_mem>>) src(%arg10 : memref<128x128xf32, #tpu.memory_space<vmem>>) dst(%dma_wait3A_120 : memref<10240x128xf32, #tpu.memory_space<vmem_shared>>)
        %add3A_121 = arith.constant 3 : i32
        %add3A_122 = arith.addi %mul3A_70, %add3A_121 : i32
        %dma_start3A_123 = arith.constant 0 : i32
        %dma_start3A_124 = tpu.memref_slice %arg7[%add3A_122, %dma_start3A_123] : memref<18x128xi32, #tpu.memory_space<vmem>> -> memref<1x128xi32, #tpu.memory_space<vmem>>
        %dma_start3A_125 = tpu.memref_squeeze %dma_start3A_124 : memref<1x128xi32, #tpu.memory_space<vmem>> -> memref<128xi32, #tpu.memory_space<vmem>>
        %dma_start3A_126 = arith.constant 0 : i32
        %dma_start3A_127 = arith.constant 0 : i32
        %dma_start3A_128 = tpu.memref_slice %arg2[%dma_start3A_126, %dma_start3A_127] : memref<10000x128xf32, #tpu.memory_space<hbm>> -> memref<10000x128xf32, #tpu.memory_space<hbm>>
        tpu.enqueue_indirect_dma source(%dma_start3A_128 : memref<10000x128xf32, #tpu.memory_space<hbm>>) target(%arg10 : memref<128x128xf32, #tpu.memory_space<vmem>>) offsets(%dma_start3A_125 : memref<128xi32, #tpu.memory_space<vmem>>) semaphore(%arg12 : memref<!tpu.dma_semaphore, #tpu.memory_space<semaphore_mem>>)
      }
      %scan3A_50 = arith.constant 8 : i32
      %dma_wait3A = arith.constant 16 : i32
      %dma_wait3A_51 = arith.constant 0 : i32
      %dma_wait3A_52 = tpu.memref_slice %arg7[%dma_wait3A, %dma_wait3A_51] : memref<18x128xi32, #tpu.memory_space<vmem>> -> memref<1x128xi32, #tpu.memory_space<vmem>>
      %dma_wait3A_53 = tpu.memref_squeeze %dma_wait3A_52 : memref<1x128xi32, #tpu.memory_space<vmem>> -> memref<128xi32, #tpu.memory_space<vmem>>
      %dma_wait3A_54 = arith.constant 0 : i32
      %dma_wait3A_55 = arith.constant 0 : i32
      %dma_wait3A_56 = tpu.memref_slice %arg2[%dma_wait3A_54, %dma_wait3A_55] : memref<10000x128xf32, #tpu.memory_space<hbm>> -> memref<10000x128xf32, #tpu.memory_space<hbm>>
      tpu.wait_indirect_dma semaphore(%arg11 : memref<!tpu.dma_semaphore, #tpu.memory_space<semaphore_mem>>) src(%dma_wait3A_56 : memref<10000x128xf32, #tpu.memory_space<hbm>>) dst(%arg9 : memref<128x128xf32, #tpu.memory_space<vmem>>)
      %dma_wait3A_57 = arith.constant 17 : i32
      %dma_wait3A_58 = arith.constant 0 : i32
      %dma_wait3A_59 = tpu.memref_slice %arg7[%dma_wait3A_57, %dma_wait3A_58] : memref<18x128xi32, #tpu.memory_space<vmem>> -> memref<1x128xi32, #tpu.memory_space<vmem>>
      %dma_wait3A_60 = tpu.memref_squeeze %dma_wait3A_59 : memref<1x128xi32, #tpu.memory_space<vmem>> -> memref<128xi32, #tpu.memory_space<vmem>>
      %dma_wait3A_61 = arith.constant 0 : i32
      %dma_wait3A_62 = arith.constant 0 : i32
      %dma_wait3A_63 = tpu.memref_slice %arg2[%dma_wait3A_61, %dma_wait3A_62] : memref<10000x128xf32, #tpu.memory_space<hbm>> -> memref<10000x128xf32, #tpu.memory_space<hbm>>
      tpu.wait_indirect_dma semaphore(%arg12 : memref<!tpu.dma_semaphore, #tpu.memory_space<semaphore_mem>>) src(%dma_wait3A_63 : memref<10000x128xf32, #tpu.memory_space<hbm>>) dst(%arg10 : memref<128x128xf32, #tpu.memory_space<vmem>>)
    }
    %while3A_26 = arith.constant 1 : i32
    scf.for %while3A_28 = %while3A_24 to %while3A_20 step %while3A_26  : i32 {
      %mul3A_29 = arith.muli %while3A_28, %while3A : i32
      %add3A_30 = arith.addi %while3A_17, %mul3A_29 : i32
      %mul3A_31 = arith.constant 16 : i32
      %mul3A_32 = arith.muli %add3A_30, %mul3A_31 : i32
      %add3A_33 = arith.addi %select_n3A, %mul3A_32 : i32
      %multiple_of3A = tpu.assume_multiple %add3A_33, 8 : i32
      "tpu.region"() ({
        %run_scoped3A = tpu.sem_alloc : memref<!tpu.dma_semaphore, #tpu.memory_space<semaphore_mem>>
        %dma_start3A_64 = arith.constant 0 : i32
        %dma_start3A_65 = arith.constant 0 : i32
        %dma_start3A_66 = tpu.memref_slice %arg7[%dma_start3A_64, %dma_start3A_65] : memref<18x128xi32, #tpu.memory_space<vmem>> -> memref<16x128xi32, #tpu.memory_space<vmem>>
        %dma_start3A_67 = arith.constant 0 : i32
        %dma_start3A_68 = tpu.memref_slice %arg3[%multiple_of3A, %dma_start3A_67] : memref<2560x128xi32, #tpu.memory_space<hbm>> -> memref<16x128xi32, #tpu.memory_space<hbm>>
        %dma_start3A_69 = arith.constant 0 : i32
        %dma_start3A_70 = arith.constant 0 : i32
        %dma_start3A_71 = tpu.memref_slice %arg7[%dma_start3A_69, %dma_start3A_70] : memref<18x128xi32, #tpu.memory_space<vmem>> -> memref<16x128xi32, #tpu.memory_space<vmem>>
        %dma_start3A_72 = arith.constant 0 : i32
        %dma_start3A_73 = tpu.memref_slice %arg3[%multiple_of3A, %dma_start3A_72] : memref<2560x128xi32, #tpu.memory_space<hbm>> -> memref<16x128xi32, #tpu.memory_space<hbm>>
        tpu.enqueue_dma source(%dma_start3A_73 : memref<16x128xi32, #tpu.memory_space<hbm>>) target(%dma_start3A_71 : memref<16x128xi32, #tpu.memory_space<vmem>>) target_semaphore(%run_scoped3A : memref<!tpu.dma_semaphore, #tpu.memory_space<semaphore_mem>>)
        %dma_wait3A_74 = arith.constant 0 : i32
        %dma_wait3A_75 = arith.constant 0 : i32
        %dma_wait3A_76 = tpu.memref_slice %arg7[%dma_wait3A_74, %dma_wait3A_75] : memref<18x128xi32, #tpu.memory_space<vmem>> -> memref<16x128xi32, #tpu.memory_space<vmem>>
        %dma_wait3A_77 = arith.constant 0 : i32
        %dma_wait3A_78 = tpu.memref_slice %arg3[%multiple_of3A, %dma_wait3A_77] : memref<2560x128xi32, #tpu.memory_space<hbm>> -> memref<16x128xi32, #tpu.memory_space<hbm>>
        %dma_wait3A_79 = arith.constant 0 : i32
        %dma_wait3A_80 = arith.constant 0 : i32
        %dma_wait3A_81 = tpu.memref_slice %arg7[%dma_wait3A_79, %dma_wait3A_80] : memref<18x128xi32, #tpu.memory_space<vmem>> -> memref<16x128xi32, #tpu.memory_space<vmem>>
        %dma_wait3A_82 = arith.constant 0 : i32
        %dma_wait3A_83 = tpu.memref_slice %arg3[%multiple_of3A, %dma_wait3A_82] : memref<2560x128xi32, #tpu.memory_space<hbm>> -> memref<16x128xi32, #tpu.memory_space<hbm>>
        tpu.wait_dma2 semaphore(%run_scoped3A : memref<!tpu.dma_semaphore, #tpu.memory_space<semaphore_mem>>) src(%dma_wait3A_83 : memref<16x128xi32, #tpu.memory_space<hbm>>) dst(%dma_wait3A_81 : memref<16x128xi32, #tpu.memory_space<vmem>>)
        tpu.yield
      }) : () -> ()
      "tpu.region"() ({
        %run_scoped3A = tpu.sem_alloc : memref<!tpu.dma_semaphore, #tpu.memory_space<semaphore_mem>>
        %dma_start3A_64 = arith.constant 16 : i32
        %dma_start3A_65 = arith.constant 0 : i32
        %dma_start3A_66 = tpu.memref_slice %arg7[%dma_start3A_64, %dma_start3A_65] : memref<18x128xi32, #tpu.memory_space<vmem>> -> memref<2x128xi32, #tpu.memory_space<vmem>>
        %dma_start3A_67 = arith.constant 0 : i32
        %dma_start3A_68 = arith.constant 0 : i32
        %dma_start3A_69 = tpu.memref_slice %arg3[%dma_start3A_67, %dma_start3A_68] : memref<2560x128xi32, #tpu.memory_space<hbm>> -> memref<2x128xi32, #tpu.memory_space<hbm>>
        %dma_start3A_70 = arith.constant 16 : i32
        %dma_start3A_71 = arith.constant 0 : i32
        %dma_start3A_72 = tpu.memref_slice %arg7[%dma_start3A_70, %dma_start3A_71] : memref<18x128xi32, #tpu.memory_space<vmem>> -> memref<2x128xi32, #tpu.memory_space<vmem>>
        %dma_start3A_73 = arith.constant 0 : i32
        %dma_start3A_74 = arith.constant 0 : i32
        %dma_start3A_75 = tpu.memref_slice %arg3[%dma_start3A_73, %dma_start3A_74] : memref<2560x128xi32, #tpu.memory_space<hbm>> -> memref<2x128xi32, #tpu.memory_space<hbm>>
        tpu.enqueue_dma source(%dma_start3A_75 : memref<2x128xi32, #tpu.memory_space<hbm>>) target(%dma_start3A_72 : memref<2x128xi32, #tpu.memory_space<vmem>>) target_semaphore(%run_scoped3A : memref<!tpu.dma_semaphore, #tpu.memory_space<semaphore_mem>>)
        %dma_wait3A_76 = arith.constant 16 : i32
        %dma_wait3A_77 = arith.constant 0 : i32
        %dma_wait3A_78 = tpu.memref_slice %arg7[%dma_wait3A_76, %dma_wait3A_77] : memref<18x128xi32, #tpu.memory_space<vmem>> -> memref<2x128xi32, #tpu.memory_space<vmem>>
        %dma_wait3A_79 = arith.constant 0 : i32
        %dma_wait3A_80 = arith.constant 0 : i32
        %dma_wait3A_81 = tpu.memref_slice %arg3[%dma_wait3A_79, %dma_wait3A_80] : memref<2560x128xi32, #tpu.memory_space<hbm>> -> memref<2x128xi32, #tpu.memory_space<hbm>>
        %dma_wait3A_82 = arith.constant 16 : i32
        %dma_wait3A_83 = arith.constant 0 : i32
        %dma_wait3A_84 = tpu.memref_slice %arg7[%dma_wait3A_82, %dma_wait3A_83] : memref<18x128xi32, #tpu.memory_space<vmem>> -> memref<2x128xi32, #tpu.memory_space<vmem>>
        %dma_wait3A_85 = arith.constant 0 : i32
        %dma_wait3A_86 = arith.constant 0 : i32
        %dma_wait3A_87 = tpu.memref_slice %arg3[%dma_wait3A_85, %dma_wait3A_86] : memref<2560x128xi32, #tpu.memory_space<hbm>> -> memref<2x128xi32, #tpu.memory_space<hbm>>
        tpu.wait_dma2 semaphore(%run_scoped3A : memref<!tpu.dma_semaphore, #tpu.memory_space<semaphore_mem>>) src(%dma_wait3A_87 : memref<2x128xi32, #tpu.memory_space<hbm>>) dst(%dma_wait3A_84 : memref<2x128xi32, #tpu.memory_space<vmem>>)
        tpu.yield
      }) : () -> ()
      "tpu.region"() ({
        %run_scoped3A = tpu.sem_alloc : memref<!tpu.dma_semaphore, #tpu.memory_space<semaphore_mem>>
        %dma_start3A_64 = arith.constant 0 : i32
        %dma_start3A_65 = tpu.memref_slice %arg4[%multiple_of3A, %dma_start3A_64] : memref<2560x128xi32, #tpu.memory_space<hbm>> -> memref<16x128xi32, #tpu.memory_space<hbm>>
        %dma_start3A_66 = arith.constant 0 : i32
        %dma_start3A_67 = tpu.memref_slice %arg4[%multiple_of3A, %dma_start3A_66] : memref<2560x128xi32, #tpu.memory_space<hbm>> -> memref<16x128xi32, #tpu.memory_space<hbm>>
        tpu.enqueue_dma source(%dma_start3A_67 : memref<16x128xi32, #tpu.memory_space<hbm>>) target(%arg8 : memref<16x128xi32, #tpu.memory_space<vmem>>) target_semaphore(%run_scoped3A : memref<!tpu.dma_semaphore, #tpu.memory_space<semaphore_mem>>)
        %dma_wait3A_68 = arith.constant 0 : i32
        %dma_wait3A_69 = tpu.memref_slice %arg4[%multiple_of3A, %dma_wait3A_68] : memref<2560x128xi32, #tpu.memory_space<hbm>> -> memref<16x128xi32, #tpu.memory_space<hbm>>
        %dma_wait3A_70 = arith.constant 0 : i32
        %dma_wait3A_71 = tpu.memref_slice %arg4[%multiple_of3A, %dma_wait3A_70] : memref<2560x128xi32, #tpu.memory_space<hbm>> -> memref<16x128xi32, #tpu.memory_space<hbm>>
        tpu.wait_dma2 semaphore(%run_scoped3A : memref<!tpu.dma_semaphore, #tpu.memory_space<semaphore_mem>>) src(%dma_wait3A_71 : memref<16x128xi32, #tpu.memory_space<hbm>>) dst(%arg8 : memref<16x128xi32, #tpu.memory_space<vmem>>)
        tpu.yield
      }) : () -> ()
      %dma_start3A = arith.constant 0 : i32
      %dma_start3A_34 = arith.constant 0 : i32
      %dma_start3A_35 = tpu.memref_slice %arg7[%dma_start3A, %dma_start3A_34] : memref<18x128xi32, #tpu.memory_space<vmem>> -> memref<1x128xi32, #tpu.memory_space<vmem>>
      %dma_start3A_36 = tpu.memref_squeeze %dma_start3A_35 : memref<1x128xi32, #tpu.memory_space<vmem>> -> memref<128xi32, #tpu.memory_space<vmem>>
      %dma_start3A_37 = arith.constant 0 : i32
      %dma_start3A_38 = arith.constant 0 : i32
      %dma_start3A_39 = tpu.memref_slice %arg2[%dma_start3A_37, %dma_start3A_38] : memref<10000x128xf32, #tpu.memory_space<hbm>> -> memref<10000x128xf32, #tpu.memory_space<hbm>>
      tpu.enqueue_indirect_dma source(%dma_start3A_39 : memref<10000x128xf32, #tpu.memory_space<hbm>>) target(%arg9 : memref<128x128xf32, #tpu.memory_space<vmem>>) offsets(%dma_start3A_36 : memref<128xi32, #tpu.memory_space<vmem>>) semaphore(%arg11 : memref<!tpu.dma_semaphore, #tpu.memory_space<semaphore_mem>>)
      %dma_start3A_40 = arith.constant 1 : i32
      %dma_start3A_41 = arith.constant 0 : i32
      %dma_start3A_42 = tpu.memref_slice %arg7[%dma_start3A_40, %dma_start3A_41] : memref<18x128xi32, #tpu.memory_space<vmem>> -> memref<1x128xi32, #tpu.memory_space<vmem>>
      %dma_start3A_43 = tpu.memref_squeeze %dma_start3A_42 : memref<1x128xi32, #tpu.memory_space<vmem>> -> memref<128xi32, #tpu.memory_space<vmem>>
      %dma_start3A_44 = arith.constant 0 : i32
      %dma_start3A_45 = arith.constant 0 : i32
      %dma_start3A_46 = tpu.memref_slice %arg2[%dma_start3A_44, %dma_start3A_45] : memref<10000x128xf32, #tpu.memory_space<hbm>> -> memref<10000x128xf32, #tpu.memory_space<hbm>>
      tpu.enqueue_indirect_dma source(%dma_start3A_46 : memref<10000x128xf32, #tpu.memory_space<hbm>>) target(%arg10 : memref<128x128xf32, #tpu.memory_space<vmem>>) offsets(%dma_start3A_43 : memref<128xi32, #tpu.memory_space<vmem>>) semaphore(%arg12 : memref<!tpu.dma_semaphore, #tpu.memory_space<semaphore_mem>>)
      %scan3A = arith.constant 0 : i32
      %scan3A_47 = arith.constant 8 : i32
      %scan3A_48 = arith.addi %scan3A, %scan3A_47 : i32
      %scan3A_49 = arith.constant 1 : i32
      scf.for %scan3A_64 = %scan3A to %scan3A_48 step %scan3A_49  : i32 {
        %mul3A_65 = arith.constant 1 : i32
        %mul3A_66 = arith.muli %scan3A_64, %mul3A_65 : i32
        %add3A_67 = arith.constant 0 : i32
        %add3A_68 = arith.addi %add3A_67, %mul3A_66 : i32
        %mul3A_69 = arith.constant 2 : i32
        %mul3A_70 = arith.muli %mul3A_69, %add3A_68 : i32
        %dma_wait3A_71 = arith.constant 0 : i32
        %dma_wait3A_72 = tpu.memref_slice %arg7[%mul3A_70, %dma_wait3A_71] : memref<18x128xi32, #tpu.memory_space<vmem>> -> memref<1x128xi32, #tpu.memory_space<vmem>>
        %dma_wait3A_73 = tpu.memref_squeeze %dma_wait3A_72 : memref<1x128xi32, #tpu.memory_space<vmem>> -> memref<128xi32, #tpu.memory_space<vmem>>
        %dma_wait3A_74 = arith.constant 0 : i32
        %dma_wait3A_75 = arith.constant 0 : i32
        %dma_wait3A_76 = tpu.memref_slice %arg2[%dma_wait3A_74, %dma_wait3A_75] : memref<10000x128xf32, #tpu.memory_space<hbm>> -> memref<10000x128xf32, #tpu.memory_space<hbm>>
        tpu.wait_indirect_dma semaphore(%arg11 : memref<!tpu.dma_semaphore, #tpu.memory_space<semaphore_mem>>) src(%dma_wait3A_76 : memref<10000x128xf32, #tpu.memory_space<hbm>>) dst(%arg9 : memref<128x128xf32, #tpu.memory_space<vmem>>)
        %dma_start3A_77 = arith.constant 0 : i32
        %dma_start3A_78 = tpu.memref_slice %arg8[%mul3A_70, %dma_start3A_77] : memref<16x128xi32, #tpu.memory_space<vmem>> -> memref<1x128xi32, #tpu.memory_space<vmem>>
        %dma_start3A_79 = tpu.memref_squeeze %dma_start3A_78 : memref<1x128xi32, #tpu.memory_space<vmem>> -> memref<128xi32, #tpu.memory_space<vmem>>
        %dma_start3A_80 = arith.constant 0 : i32
        %dma_start3A_81 = arith.constant 0 : i32
        %dma_start3A_82 = tpu.memref_slice %arg15[%dma_start3A_80, %dma_start3A_81] : memref<10240x128xf32, #tpu.memory_space<vmem_shared>> -> memref<10240x128xf32, #tpu.memory_space<vmem_shared>>
        tpu.enqueue_indirect_dma source(%arg9 : memref<128x128xf32, #tpu.memory_space<vmem>>) target(%dma_start3A_82 : memref<10240x128xf32, #tpu.memory_space<vmem_shared>>) offsets(%dma_start3A_79 : memref<128xi32, #tpu.memory_space<vmem>>) semaphore(%arg13 : memref<!tpu.dma_semaphore, #tpu.memory_space<semaphore_mem>>) {add = true}
        %add3A_83 = arith.constant 1 : i32
        %add3A_84 = arith.addi %mul3A_70, %add3A_83 : i32
        %dma_wait3A_85 = arith.constant 0 : i32
        %dma_wait3A_86 = tpu.memref_slice %arg7[%add3A_84, %dma_wait3A_85] : memref<18x128xi32, #tpu.memory_space<vmem>> -> memref<1x128xi32, #tpu.memory_space<vmem>>
        %dma_wait3A_87 = tpu.memref_squeeze %dma_wait3A_86 : memref<1x128xi32, #tpu.memory_space<vmem>> -> memref<128xi32, #tpu.memory_space<vmem>>
        %dma_wait3A_88 = arith.constant 0 : i32
        %dma_wait3A_89 = arith.constant 0 : i32
        %dma_wait3A_90 = tpu.memref_slice %arg2[%dma_wait3A_88, %dma_wait3A_89] : memref<10000x128xf32, #tpu.memory_space<hbm>> -> memref<10000x128xf32, #tpu.memory_space<hbm>>
        tpu.wait_indirect_dma semaphore(%arg12 : memref<!tpu.dma_semaphore, #tpu.memory_space<semaphore_mem>>) src(%dma_wait3A_90 : memref<10000x128xf32, #tpu.memory_space<hbm>>) dst(%arg10 : memref<128x128xf32, #tpu.memory_space<vmem>>)
        %add3A_91 = arith.constant 1 : i32
        %add3A_92 = arith.addi %mul3A_70, %add3A_91 : i32
        %dma_start3A_93 = arith.constant 0 : i32
        %dma_start3A_94 = tpu.memref_slice %arg8[%add3A_92, %dma_start3A_93] : memref<16x128xi32, #tpu.memory_space<vmem>> -> memref<1x128xi32, #tpu.memory_space<vmem>>
        %dma_start3A_95 = tpu.memref_squeeze %dma_start3A_94 : memref<1x128xi32, #tpu.memory_space<vmem>> -> memref<128xi32, #tpu.memory_space<vmem>>
        %dma_start3A_96 = arith.constant 0 : i32
        %dma_start3A_97 = arith.constant 0 : i32
        %dma_start3A_98 = tpu.memref_slice %arg15[%dma_start3A_96, %dma_start3A_97] : memref<10240x128xf32, #tpu.memory_space<vmem_shared>> -> memref<10240x128xf32, #tpu.memory_space<vmem_shared>>
        tpu.enqueue_indirect_dma source(%arg10 : memref<128x128xf32, #tpu.memory_space<vmem>>) target(%dma_start3A_98 : memref<10240x128xf32, #tpu.memory_space<vmem_shared>>) offsets(%dma_start3A_95 : memref<128xi32, #tpu.memory_space<vmem>>) semaphore(%arg14 : memref<!tpu.dma_semaphore, #tpu.memory_space<semaphore_mem>>) {add = true}
        %dma_wait3A_99 = arith.constant 0 : i32
        %dma_wait3A_100 = tpu.memref_slice %arg8[%mul3A_70, %dma_wait3A_99] : memref<16x128xi32, #tpu.memory_space<vmem>> -> memref<1x128xi32, #tpu.memory_space<vmem>>
        %dma_wait3A_101 = tpu.memref_squeeze %dma_wait3A_100 : memref<1x128xi32, #tpu.memory_space<vmem>> -> memref<128xi32, #tpu.memory_space<vmem>>
        %dma_wait3A_102 = arith.constant 0 : i32
        %dma_wait3A_103 = arith.constant 0 : i32
        %dma_wait3A_104 = tpu.memref_slice %arg15[%dma_wait3A_102, %dma_wait3A_103] : memref<10240x128xf32, #tpu.memory_space<vmem_shared>> -> memref<10240x128xf32, #tpu.memory_space<vmem_shared>>
        tpu.wait_indirect_dma semaphore(%arg13 : memref<!tpu.dma_semaphore, #tpu.memory_space<semaphore_mem>>) src(%arg9 : memref<128x128xf32, #tpu.memory_space<vmem>>) dst(%dma_wait3A_104 : memref<10240x128xf32, #tpu.memory_space<vmem_shared>>)
        %add3A_105 = arith.constant 2 : i32
        %add3A_106 = arith.addi %mul3A_70, %add3A_105 : i32
        %dma_start3A_107 = arith.constant 0 : i32
        %dma_start3A_108 = tpu.memref_slice %arg7[%add3A_106, %dma_start3A_107] : memref<18x128xi32, #tpu.memory_space<vmem>> -> memref<1x128xi32, #tpu.memory_space<vmem>>
        %dma_start3A_109 = tpu.memref_squeeze %dma_start3A_108 : memref<1x128xi32, #tpu.memory_space<vmem>> -> memref<128xi32, #tpu.memory_space<vmem>>
        %dma_start3A_110 = arith.constant 0 : i32
        %dma_start3A_111 = arith.constant 0 : i32
        %dma_start3A_112 = tpu.memref_slice %arg2[%dma_start3A_110, %dma_start3A_111] : memref<10000x128xf32, #tpu.memory_space<hbm>> -> memref<10000x128xf32, #tpu.memory_space<hbm>>
        tpu.enqueue_indirect_dma source(%dma_start3A_112 : memref<10000x128xf32, #tpu.memory_space<hbm>>) target(%arg9 : memref<128x128xf32, #tpu.memory_space<vmem>>) offsets(%dma_start3A_109 : memref<128xi32, #tpu.memory_space<vmem>>) semaphore(%arg11 : memref<!tpu.dma_semaphore, #tpu.memory_space<semaphore_mem>>)
        %add3A_113 = arith.constant 1 : i32
        %add3A_114 = arith.addi %mul3A_70, %add3A_113 : i32
        %dma_wait3A_115 = arith.constant 0 : i32
        %dma_wait3A_116 = tpu.memref_slice %arg8[%add3A_114, %dma_wait3A_115] : memref<16x128xi32, #tpu.memory_space<vmem>> -> memref<1x128xi32, #tpu.memory_space<vmem>>
        %dma_wait3A_117 = tpu.memref_squeeze %dma_wait3A_116 : memref<1x128xi32, #tpu.memory_space<vmem>> -> memref<128xi32, #tpu.memory_space<vmem>>
        %dma_wait3A_118 = arith.constant 0 : i32
        %dma_wait3A_119 = arith.constant 0 : i32
        %dma_wait3A_120 = tpu.memref_slice %arg15[%dma_wait3A_118, %dma_wait3A_119] : memref<10240x128xf32, #tpu.memory_space<vmem_shared>> -> memref<10240x128xf32, #tpu.memory_space<vmem_shared>>
        tpu.wait_indirect_dma semaphore(%arg14 : memref<!tpu.dma_semaphore, #tpu.memory_space<semaphore_mem>>) src(%arg10 : memref<128x128xf32, #tpu.memory_space<vmem>>) dst(%dma_wait3A_120 : memref<10240x128xf32, #tpu.memory_space<vmem_shared>>)
        %add3A_121 = arith.constant 3 : i32
        %add3A_122 = arith.addi %mul3A_70, %add3A_121 : i32
        %dma_start3A_123 = arith.constant 0 : i32
        %dma_start3A_124 = tpu.memref_slice %arg7[%add3A_122, %dma_start3A_123] : memref<18x128xi32, #tpu.memory_space<vmem>> -> memref<1x128xi32, #tpu.memory_space<vmem>>
        %dma_start3A_125 = tpu.memref_squeeze %dma_start3A_124 : memref<1x128xi32, #tpu.memory_space<vmem>> -> memref<128xi32, #tpu.memory_space<vmem>>
        %dma_start3A_126 = arith.constant 0 : i32
        %dma_start3A_127 = arith.constant 0 : i32
        %dma_start3A_128 = tpu.memref_slice %arg2[%dma_start3A_126, %dma_start3A_127] : memref<10000x128xf32, #tpu.memory_space<hbm>> -> memref<10000x128xf32, #tpu.memory_space<hbm>>
        tpu.enqueue_indirect_dma source(%dma_start3A_128 : memref<10000x128xf32, #tpu.memory_space<hbm>>) target(%arg10 : memref<128x128xf32, #tpu.memory_space<vmem>>) offsets(%dma_start3A_125 : memref<128xi32, #tpu.memory_space<vmem>>) semaphore(%arg12 : memref<!tpu.dma_semaphore, #tpu.memory_space<semaphore_mem>>)
      }
      %scan3A_50 = arith.constant 8 : i32
      %dma_wait3A = arith.constant 16 : i32
      %dma_wait3A_51 = arith.constant 0 : i32
      %dma_wait3A_52 = tpu.memref_slice %arg7[%dma_wait3A, %dma_wait3A_51] : memref<18x128xi32, #tpu.memory_space<vmem>> -> memref<1x128xi32, #tpu.memory_space<vmem>>
      %dma_wait3A_53 = tpu.memref_squeeze %dma_wait3A_52 : memref<1x128xi32, #tpu.memory_space<vmem>> -> memref<128xi32, #tpu.memory_space<vmem>>
      %dma_wait3A_54 = arith.constant 0 : i32
      %dma_wait3A_55 = arith.constant 0 : i32
      %dma_wait3A_56 = tpu.memref_slice %arg2[%dma_wait3A_54, %dma_wait3A_55] : memref<10000x128xf32, #tpu.memory_space<hbm>> -> memref<10000x128xf32, #tpu.memory_space<hbm>>
      tpu.wait_indirect_dma semaphore(%arg11 : memref<!tpu.dma_semaphore, #tpu.memory_space<semaphore_mem>>) src(%dma_wait3A_56 : memref<10000x128xf32, #tpu.memory_space<hbm>>) dst(%arg9 : memref<128x128xf32, #tpu.memory_space<vmem>>)
      %dma_wait3A_57 = arith.constant 17 : i32
      %dma_wait3A_58 = arith.constant 0 : i32
      %dma_wait3A_59 = tpu.memref_slice %arg7[%dma_wait3A_57, %dma_wait3A_58] : memref<18x128xi32, #tpu.memory_space<vmem>> -> memref<1x128xi32, #tpu.memory_space<vmem>>
      %dma_wait3A_60 = tpu.memref_squeeze %dma_wait3A_59 : memref<1x128xi32, #tpu.memory_space<vmem>> -> memref<128xi32, #tpu.memory_space<vmem>>
      %dma_wait3A_61 = arith.constant 0 : i32
      %dma_wait3A_62 = arith.constant 0 : i32
      %dma_wait3A_63 = tpu.memref_slice %arg2[%dma_wait3A_61, %dma_wait3A_62] : memref<10000x128xf32, #tpu.memory_space<hbm>> -> memref<10000x128xf32, #tpu.memory_space<hbm>>
      tpu.wait_indirect_dma semaphore(%arg12 : memref<!tpu.dma_semaphore, #tpu.memory_space<semaphore_mem>>) src(%dma_wait3A_63 : memref<10000x128xf32, #tpu.memory_space<hbm>>) dst(%arg10 : memref<128x128xf32, #tpu.memory_space<vmem>>)
    }
    %barrier3A_27 = arith.constant 0 : index
    tpu.barrier barrier_id(%barrier3A_27)
    "tpu.region"() ({
      %run_scoped3A = tpu.sem_alloc : memref<!tpu.dma_semaphore, #tpu.memory_space<semaphore_mem>>
      %dma_start3A = arith.constant 0 : i32
      %dma_start3A_28 = tpu.memref_slice %arg6[%arg0, %mul3A_0, %dma_start3A] : memref<2x10240x128xf32, #tpu.memory_space<hbm>> -> memref<1x640x128xf32, #tpu.memory_space<hbm>>
      %dma_start3A_29 = tpu.memref_squeeze %dma_start3A_28 : memref<1x640x128xf32, #tpu.memory_space<hbm>> -> memref<640x128xf32, #tpu.memory_space<hbm>>
      %dma_start3A_30 = arith.constant 0 : i32
      %dma_start3A_31 = tpu.memref_slice %arg15[%mul3A_0, %dma_start3A_30] : memref<10240x128xf32, #tpu.memory_space<vmem_shared>> -> memref<640x128xf32, #tpu.memory_space<vmem_shared>>
      tpu.enqueue_dma source(%dma_start3A_31 : memref<640x128xf32, #tpu.memory_space<vmem_shared>>) target(%dma_start3A_29 : memref<640x128xf32, #tpu.memory_space<hbm>>) target_semaphore(%run_scoped3A : memref<!tpu.dma_semaphore, #tpu.memory_space<semaphore_mem>>)
      %dma_wait3A = arith.constant 0 : i32
      %dma_wait3A_32 = tpu.memref_slice %arg6[%arg0, %mul3A_0, %dma_wait3A] : memref<2x10240x128xf32, #tpu.memory_space<hbm>> -> memref<1x640x128xf32, #tpu.memory_space<hbm>>
      %dma_wait3A_33 = tpu.memref_squeeze %dma_wait3A_32 : memref<1x640x128xf32, #tpu.memory_space<hbm>> -> memref<640x128xf32, #tpu.memory_space<hbm>>
      %dma_wait3A_34 = arith.constant 0 : i32
      %dma_wait3A_35 = tpu.memref_slice %arg15[%mul3A_0, %dma_wait3A_34] : memref<10240x128xf32, #tpu.memory_space<vmem_shared>> -> memref<640x128xf32, #tpu.memory_space<vmem_shared>>
      tpu.wait_dma2 semaphore(%run_scoped3A : memref<!tpu.dma_semaphore, #tpu.memory_space<semaphore_mem>>) src(%dma_wait3A_35 : memref<640x128xf32, #tpu.memory_space<vmem_shared>>) dst(%dma_wait3A_33 : memref<640x128xf32, #tpu.memory_space<hbm>>)
      tpu.yield
    }) : () -> ()
    return
  }
}

#map = affine_map<(d0, d1) -> (0, 0)>
#map1 = affine_map<(d0, d1) -> (0, 0, 0)>
module attributes {stable_mosaic.version = 14 : i64} {
  func.func @sc_seg_agg(%arg0: i32, %arg1: i32, %arg2: memref<10000x128xf32, #tpu.memory_space<hbm>>, %arg3: memref<2560x128xi32, #tpu.memory_space<hbm>>, %arg4: memref<2560x128xi32, #tpu.memory_space<hbm>>, %arg5: memref<10240x128xf32, #tpu.memory_space<hbm>>, %arg6: memref<2x10240x128xf32, #tpu.memory_space<hbm>>, %arg7: memref<18x128xi32, #tpu.memory_space<vmem>>, %arg8: memref<16x128xi32, #tpu.memory_space<vmem>>, %arg9: memref<128x128xf32, #tpu.memory_space<vmem>>, %arg10: memref<128x128xf32, #tpu.memory_space<vmem>>, %arg11: memref<!tpu.dma_semaphore, #tpu.memory_space<semaphore_mem>>, %arg12: memref<!tpu.dma_semaphore, #tpu.memory_space<semaphore_mem>>, %arg13: memref<!tpu.dma_semaphore, #tpu.memory_space<semaphore_mem>>, %arg14: memref<!tpu.dma_semaphore, #tpu.memory_space<semaphore_mem>>, %arg15: memref<10240x128xf32, #tpu.memory_space<vmem_shared>>) attributes {dimension_semantics = [#tpu.dimension_semantics<core_parallel>, #tpu.dimension_semantics<subcore_parallel>], iteration_bounds = array<i64: 2, 16>, scalar_prefetch = 0 : i64, scratch_operands = 9 : i64, tpu.core_type = #tpu.core_type<sc_vector_subcore>, window_params = [{transform_indices = #map}, {transform_indices = #map}, {transform_indices = #map}, {transform_indices = #map}, {transform_indices = #map1}]} {
    %mul3A = arith.constant 640 : i32
    %mul3A_0 = arith.muli %arg1, %mul3A : i32
    "tpu.region"() ({
      %run_scoped3A = tpu.sem_alloc : memref<!tpu.dma_semaphore, #tpu.memory_space<semaphore_mem>>
      %dma_start3A = arith.constant 0 : i32
      %dma_start3A_28 = tpu.memref_slice %arg15[%mul3A_0, %dma_start3A] : memref<10240x128xf32, #tpu.memory_space<vmem_shared>> -> memref<640x128xf32, #tpu.memory_space<vmem_shared>>
      %dma_start3A_29 = arith.constant 0 : i32
      %dma_start3A_30 = tpu.memref_slice %arg5[%mul3A_0, %dma_start3A_29] : memref<10240x128xf32, #tpu.memory_space<hbm>> -> memref<640x128xf32, #tpu.memory_space<hbm>>
      tpu.enqueue_dma source(%dma_start3A_30 : memref<640x128xf32, #tpu.memory_space<hbm>>) target(%dma_start3A_28 : memref<640x128xf32, #tpu.memory_space<vmem_shared>>) target_semaphore(%run_scoped3A : memref<!tpu.dma_semaphore, #tpu.memory_space<semaphore_mem>>)
      %dma_wait3A = arith.constant 0 : i32
      %dma_wait3A_31 = tpu.memref_slice %arg15[%mul3A_0, %dma_wait3A] : memref<10240x128xf32, #tpu.memory_space<vmem_shared>> -> memref<640x128xf32, #tpu.memory_space<vmem_shared>>
      %dma_wait3A_32 = arith.constant 0 : i32
      %dma_wait3A_33 = tpu.memref_slice %arg5[%mul3A_0, %dma_wait3A_32] : memref<10240x128xf32, #tpu.memory_space<hbm>> -> memref<640x128xf32, #tpu.memory_space<hbm>>
      tpu.wait_dma2 semaphore(%run_scoped3A : memref<!tpu.dma_semaphore, #tpu.memory_space<semaphore_mem>>) src(%dma_wait3A_33 : memref<640x128xf32, #tpu.memory_space<hbm>>) dst(%dma_wait3A_31 : memref<640x128xf32, #tpu.memory_space<vmem_shared>>)
      tpu.yield
    }) : () -> ()
    %barrier3A = arith.constant 0 : index
    tpu.barrier barrier_id(%barrier3A)
    %eq3A = arith.constant 0 : i32
    %eq3A_1 = arith.cmpi eq, %arg0, %eq3A : i32
    %mul3A_2 = arith.constant 144 : i32
    %mul3A_3 = arith.muli %arg1, %mul3A_2 : i32
    %mul3A_4 = arith.constant 16 : i32
    %mul3A_5 = arith.muli %arg1, %mul3A_4 : i32
    %add3A = arith.constant 2304 : i32
    %add3A_6 = arith.addi %add3A, %mul3A_5 : i32
    %select_n3A = arith.select %eq3A_1, %mul3A_3, %add3A_6 : i32
    %eq3A_7 = arith.constant 0 : i32
    %eq3A_8 = arith.cmpi eq, %arg0, %eq3A_7 : i32
    %jit3A = arith.constant 9 : i32
    %jit3A_9 = arith.constant 1 : i32
    %select_n3A_10 = arith.select %eq3A_8, %jit3A, %jit3A_9 : i32
    %sub3A = arith.constant 0 : i32
    %sub3A_11 = arith.subi %select_n3A_10, %sub3A : i32
    %sub3A_12 = arith.constant 1 : i32
    %sub3A_13 = arith.constant 1 : i32
    %sub3A_14 = arith.subi %sub3A_12, %sub3A_13 : i32
    %add3A_15 = arith.addi %sub3A_11, %sub3A_14 : i32
    %div3A = arith.constant 1 : i32
    %div3A_16 = arith.divsi %add3A_15, %div3A : i32
    %while3A = arith.constant 1 : i32
    %while3A_17 = arith.constant 0 : i32
    %while3A_18 = arith.constant 0 : i32
    %while3A_19 = arith.subi %div3A_16, %while3A_18 : i32
    %while3A_20 = arith.addi %while3A_18, %while3A_19 : i32
    %while3A_21 = arith.constant 1 : i32
    %while3A_22 = arith.divsi %while3A_19, %while3A_21 : i32
    %while3A_23 = arith.muli %while3A_22, %while3A_21 : i32
    %while3A_24 = arith.addi %while3A_18, %while3A_23 : i32
    %while3A_25 = arith.constant 1 : i32
    scf.for %while3A_28 = %while3A_18 to %while3A_24 step %while3A_25  : i32 {
      %mul3A_29 = arith.muli %while3A_28, %while3A : i32
      %add3A_30 = arith.addi %while3A_17, %mul3A_29 : i32
      %mul3A_31 = arith.constant 16 : i32
      %mul3A_32 = arith.muli %add3A_30, %mul3A_31 : i32
      %add3A_33 = arith.addi %select_n3A, %mul3A_32 : i32
      %multiple_of3A = tpu.assume_multiple %add3A_33, 8 : i32
      "tpu.region"() ({
        %run_scoped3A = tpu.sem_alloc : memref<!tpu.dma_semaphore, #tpu.memory_space<semaphore_mem>>
        %dma_start3A_64 = arith.constant 0 : i32
        %dma_start3A_65 = arith.constant 0 : i32
        %dma_start3A_66 = tpu.memref_slice %arg7[%dma_start3A_64, %dma_start3A_65] : memref<18x128xi32, #tpu.memory_space<vmem>> -> memref<16x128xi32, #tpu.memory_space<vmem>>
        %dma_start3A_67 = arith.constant 0 : i32
        %dma_start3A_68 = tpu.memref_slice %arg3[%multiple_of3A, %dma_start3A_67] : memref<2560x128xi32, #tpu.memory_space<hbm>> -> memref<16x128xi32, #tpu.memory_space<hbm>>
        %dma_start3A_69 = arith.constant 0 : i32
        %dma_start3A_70 = arith.constant 0 : i32
        %dma_start3A_71 = tpu.memref_slice %arg7[%dma_start3A_69, %dma_start3A_70] : memref<18x128xi32, #tpu.memory_space<vmem>> -> memref<16x128xi32, #tpu.memory_space<vmem>>
        %dma_start3A_72 = arith.constant 0 : i32
        %dma_start3A_73 = tpu.memref_slice %arg3[%multiple_of3A, %dma_start3A_72] : memref<2560x128xi32, #tpu.memory_space<hbm>> -> memref<16x128xi32, #tpu.memory_space<hbm>>
        tpu.enqueue_dma source(%dma_start3A_73 : memref<16x128xi32, #tpu.memory_space<hbm>>) target(%dma_start3A_71 : memref<16x128xi32, #tpu.memory_space<vmem>>) target_semaphore(%run_scoped3A : memref<!tpu.dma_semaphore, #tpu.memory_space<semaphore_mem>>)
        %dma_wait3A_74 = arith.constant 0 : i32
        %dma_wait3A_75 = arith.constant 0 : i32
        %dma_wait3A_76 = tpu.memref_slice %arg7[%dma_wait3A_74, %dma_wait3A_75] : memref<18x128xi32, #tpu.memory_space<vmem>> -> memref<16x128xi32, #tpu.memory_space<vmem>>
        %dma_wait3A_77 = arith.constant 0 : i32
        %dma_wait3A_78 = tpu.memref_slice %arg3[%multiple_of3A, %dma_wait3A_77] : memref<2560x128xi32, #tpu.memory_space<hbm>> -> memref<16x128xi32, #tpu.memory_space<hbm>>
        %dma_wait3A_79 = arith.constant 0 : i32
        %dma_wait3A_80 = arith.constant 0 : i32
        %dma_wait3A_81 = tpu.memref_slice %arg7[%dma_wait3A_79, %dma_wait3A_80] : memref<18x128xi32, #tpu.memory_space<vmem>> -> memref<16x128xi32, #tpu.memory_space<vmem>>
        %dma_wait3A_82 = arith.constant 0 : i32
        %dma_wait3A_83 = tpu.memref_slice %arg3[%multiple_of3A, %dma_wait3A_82] : memref<2560x128xi32, #tpu.memory_space<hbm>> -> memref<16x128xi32, #tpu.memory_space<hbm>>
        tpu.wait_dma2 semaphore(%run_scoped3A : memref<!tpu.dma_semaphore, #tpu.memory_space<semaphore_mem>>) src(%dma_wait3A_83 : memref<16x128xi32, #tpu.memory_space<hbm>>) dst(%dma_wait3A_81 : memref<16x128xi32, #tpu.memory_space<vmem>>)
        tpu.yield
      }) : () -> ()
      "tpu.region"() ({
        %run_scoped3A = tpu.sem_alloc : memref<!tpu.dma_semaphore, #tpu.memory_space<semaphore_mem>>
        %dma_start3A_64 = arith.constant 16 : i32
        %dma_start3A_65 = arith.constant 0 : i32
        %dma_start3A_66 = tpu.memref_slice %arg7[%dma_start3A_64, %dma_start3A_65] : memref<18x128xi32, #tpu.memory_space<vmem>> -> memref<2x128xi32, #tpu.memory_space<vmem>>
        %dma_start3A_67 = arith.constant 0 : i32
        %dma_start3A_68 = arith.constant 0 : i32
        %dma_start3A_69 = tpu.memref_slice %arg3[%dma_start3A_67, %dma_start3A_68] : memref<2560x128xi32, #tpu.memory_space<hbm>> -> memref<2x128xi32, #tpu.memory_space<hbm>>
        %dma_start3A_70 = arith.constant 16 : i32
        %dma_start3A_71 = arith.constant 0 : i32
        %dma_start3A_72 = tpu.memref_slice %arg7[%dma_start3A_70, %dma_start3A_71] : memref<18x128xi32, #tpu.memory_space<vmem>> -> memref<2x128xi32, #tpu.memory_space<vmem>>
        %dma_start3A_73 = arith.constant 0 : i32
        %dma_start3A_74 = arith.constant 0 : i32
        %dma_start3A_75 = tpu.memref_slice %arg3[%dma_start3A_73, %dma_start3A_74] : memref<2560x128xi32, #tpu.memory_space<hbm>> -> memref<2x128xi32, #tpu.memory_space<hbm>>
        tpu.enqueue_dma source(%dma_start3A_75 : memref<2x128xi32, #tpu.memory_space<hbm>>) target(%dma_start3A_72 : memref<2x128xi32, #tpu.memory_space<vmem>>) target_semaphore(%run_scoped3A : memref<!tpu.dma_semaphore, #tpu.memory_space<semaphore_mem>>)
        %dma_wait3A_76 = arith.constant 16 : i32
        %dma_wait3A_77 = arith.constant 0 : i32
        %dma_wait3A_78 = tpu.memref_slice %arg7[%dma_wait3A_76, %dma_wait3A_77] : memref<18x128xi32, #tpu.memory_space<vmem>> -> memref<2x128xi32, #tpu.memory_space<vmem>>
        %dma_wait3A_79 = arith.constant 0 : i32
        %dma_wait3A_80 = arith.constant 0 : i32
        %dma_wait3A_81 = tpu.memref_slice %arg3[%dma_wait3A_79, %dma_wait3A_80] : memref<2560x128xi32, #tpu.memory_space<hbm>> -> memref<2x128xi32, #tpu.memory_space<hbm>>
        %dma_wait3A_82 = arith.constant 16 : i32
        %dma_wait3A_83 = arith.constant 0 : i32
        %dma_wait3A_84 = tpu.memref_slice %arg7[%dma_wait3A_82, %dma_wait3A_83] : memref<18x128xi32, #tpu.memory_space<vmem>> -> memref<2x128xi32, #tpu.memory_space<vmem>>
        %dma_wait3A_85 = arith.constant 0 : i32
        %dma_wait3A_86 = arith.constant 0 : i32
        %dma_wait3A_87 = tpu.memref_slice %arg3[%dma_wait3A_85, %dma_wait3A_86] : memref<2560x128xi32, #tpu.memory_space<hbm>> -> memref<2x128xi32, #tpu.memory_space<hbm>>
        tpu.wait_dma2 semaphore(%run_scoped3A : memref<!tpu.dma_semaphore, #tpu.memory_space<semaphore_mem>>) src(%dma_wait3A_87 : memref<2x128xi32, #tpu.memory_space<hbm>>) dst(%dma_wait3A_84 : memref<2x128xi32, #tpu.memory_space<vmem>>)
        tpu.yield
      }) : () -> ()
      "tpu.region"() ({
        %run_scoped3A = tpu.sem_alloc : memref<!tpu.dma_semaphore, #tpu.memory_space<semaphore_mem>>
        %dma_start3A_64 = arith.constant 0 : i32
        %dma_start3A_65 = tpu.memref_slice %arg4[%multiple_of3A, %dma_start3A_64] : memref<2560x128xi32, #tpu.memory_space<hbm>> -> memref<16x128xi32, #tpu.memory_space<hbm>>
        %dma_start3A_66 = arith.constant 0 : i32
        %dma_start3A_67 = tpu.memref_slice %arg4[%multiple_of3A, %dma_start3A_66] : memref<2560x128xi32, #tpu.memory_space<hbm>> -> memref<16x128xi32, #tpu.memory_space<hbm>>
        tpu.enqueue_dma source(%dma_start3A_67 : memref<16x128xi32, #tpu.memory_space<hbm>>) target(%arg8 : memref<16x128xi32, #tpu.memory_space<vmem>>) target_semaphore(%run_scoped3A : memref<!tpu.dma_semaphore, #tpu.memory_space<semaphore_mem>>)
        %dma_wait3A_68 = arith.constant 0 : i32
        %dma_wait3A_69 = tpu.memref_slice %arg4[%multiple_of3A, %dma_wait3A_68] : memref<2560x128xi32, #tpu.memory_space<hbm>> -> memref<16x128xi32, #tpu.memory_space<hbm>>
        %dma_wait3A_70 = arith.constant 0 : i32
        %dma_wait3A_71 = tpu.memref_slice %arg4[%multiple_of3A, %dma_wait3A_70] : memref<2560x128xi32, #tpu.memory_space<hbm>> -> memref<16x128xi32, #tpu.memory_space<hbm>>
        tpu.wait_dma2 semaphore(%run_scoped3A : memref<!tpu.dma_semaphore, #tpu.memory_space<semaphore_mem>>) src(%dma_wait3A_71 : memref<16x128xi32, #tpu.memory_space<hbm>>) dst(%arg8 : memref<16x128xi32, #tpu.memory_space<vmem>>)
        tpu.yield
      }) : () -> ()
      %dma_start3A = arith.constant 0 : i32
      %dma_start3A_34 = arith.constant 0 : i32
      %dma_start3A_35 = tpu.memref_slice %arg7[%dma_start3A, %dma_start3A_34] : memref<18x128xi32, #tpu.memory_space<vmem>> -> memref<1x128xi32, #tpu.memory_space<vmem>>
      %dma_start3A_36 = tpu.memref_squeeze %dma_start3A_35 : memref<1x128xi32, #tpu.memory_space<vmem>> -> memref<128xi32, #tpu.memory_space<vmem>>
      %dma_start3A_37 = arith.constant 0 : i32
      %dma_start3A_38 = arith.constant 0 : i32
      %dma_start3A_39 = tpu.memref_slice %arg2[%dma_start3A_37, %dma_start3A_38] : memref<10000x128xf32, #tpu.memory_space<hbm>> -> memref<10000x128xf32, #tpu.memory_space<hbm>>
      tpu.enqueue_indirect_dma source(%dma_start3A_39 : memref<10000x128xf32, #tpu.memory_space<hbm>>) target(%arg9 : memref<128x128xf32, #tpu.memory_space<vmem>>) offsets(%dma_start3A_36 : memref<128xi32, #tpu.memory_space<vmem>>) semaphore(%arg11 : memref<!tpu.dma_semaphore, #tpu.memory_space<semaphore_mem>>)
      %dma_start3A_40 = arith.constant 1 : i32
      %dma_start3A_41 = arith.constant 0 : i32
      %dma_start3A_42 = tpu.memref_slice %arg7[%dma_start3A_40, %dma_start3A_41] : memref<18x128xi32, #tpu.memory_space<vmem>> -> memref<1x128xi32, #tpu.memory_space<vmem>>
      %dma_start3A_43 = tpu.memref_squeeze %dma_start3A_42 : memref<1x128xi32, #tpu.memory_space<vmem>> -> memref<128xi32, #tpu.memory_space<vmem>>
      %dma_start3A_44 = arith.constant 0 : i32
      %dma_start3A_45 = arith.constant 0 : i32
      %dma_start3A_46 = tpu.memref_slice %arg2[%dma_start3A_44, %dma_start3A_45] : memref<10000x128xf32, #tpu.memory_space<hbm>> -> memref<10000x128xf32, #tpu.memory_space<hbm>>
      tpu.enqueue_indirect_dma source(%dma_start3A_46 : memref<10000x128xf32, #tpu.memory_space<hbm>>) target(%arg10 : memref<128x128xf32, #tpu.memory_space<vmem>>) offsets(%dma_start3A_43 : memref<128xi32, #tpu.memory_space<vmem>>) semaphore(%arg12 : memref<!tpu.dma_semaphore, #tpu.memory_space<semaphore_mem>>)
      %scan3A = arith.constant 0 : i32
      %scan3A_47 = arith.constant 8 : i32
      %scan3A_48 = arith.addi %scan3A, %scan3A_47 : i32
      %scan3A_49 = arith.constant 1 : i32
      scf.for %scan3A_64 = %scan3A to %scan3A_48 step %scan3A_49  : i32 {
        %mul3A_65 = arith.constant 1 : i32
        %mul3A_66 = arith.muli %scan3A_64, %mul3A_65 : i32
        %add3A_67 = arith.constant 0 : i32
        %add3A_68 = arith.addi %add3A_67, %mul3A_66 : i32
        %mul3A_69 = arith.constant 2 : i32
        %mul3A_70 = arith.muli %mul3A_69, %add3A_68 : i32
        %dma_wait3A_71 = arith.constant 0 : i32
        %dma_wait3A_72 = tpu.memref_slice %arg7[%mul3A_70, %dma_wait3A_71] : memref<18x128xi32, #tpu.memory_space<vmem>> -> memref<1x128xi32, #tpu.memory_space<vmem>>
        %dma_wait3A_73 = tpu.memref_squeeze %dma_wait3A_72 : memref<1x128xi32, #tpu.memory_space<vmem>> -> memref<128xi32, #tpu.memory_space<vmem>>
        %dma_wait3A_74 = arith.constant 0 : i32
        %dma_wait3A_75 = arith.constant 0 : i32
        %dma_wait3A_76 = tpu.memref_slice %arg2[%dma_wait3A_74, %dma_wait3A_75] : memref<10000x128xf32, #tpu.memory_space<hbm>> -> memref<10000x128xf32, #tpu.memory_space<hbm>>
        tpu.wait_indirect_dma semaphore(%arg11 : memref<!tpu.dma_semaphore, #tpu.memory_space<semaphore_mem>>) src(%dma_wait3A_76 : memref<10000x128xf32, #tpu.memory_space<hbm>>) dst(%arg9 : memref<128x128xf32, #tpu.memory_space<vmem>>)
        %dma_start3A_77 = arith.constant 0 : i32
        %dma_start3A_78 = tpu.memref_slice %arg8[%mul3A_70, %dma_start3A_77] : memref<16x128xi32, #tpu.memory_space<vmem>> -> memref<1x128xi32, #tpu.memory_space<vmem>>
        %dma_start3A_79 = tpu.memref_squeeze %dma_start3A_78 : memref<1x128xi32, #tpu.memory_space<vmem>> -> memref<128xi32, #tpu.memory_space<vmem>>
        %dma_start3A_80 = arith.constant 0 : i32
        %dma_start3A_81 = arith.constant 0 : i32
        %dma_start3A_82 = tpu.memref_slice %arg15[%dma_start3A_80, %dma_start3A_81] : memref<10240x128xf32, #tpu.memory_space<vmem_shared>> -> memref<10240x128xf32, #tpu.memory_space<vmem_shared>>
        tpu.enqueue_indirect_dma source(%arg9 : memref<128x128xf32, #tpu.memory_space<vmem>>) target(%dma_start3A_82 : memref<10240x128xf32, #tpu.memory_space<vmem_shared>>) offsets(%dma_start3A_79 : memref<128xi32, #tpu.memory_space<vmem>>) semaphore(%arg13 : memref<!tpu.dma_semaphore, #tpu.memory_space<semaphore_mem>>) {add = true}
        %add3A_83 = arith.constant 1 : i32
        %add3A_84 = arith.addi %mul3A_70, %add3A_83 : i32
        %dma_wait3A_85 = arith.constant 0 : i32
        %dma_wait3A_86 = tpu.memref_slice %arg7[%add3A_84, %dma_wait3A_85] : memref<18x128xi32, #tpu.memory_space<vmem>> -> memref<1x128xi32, #tpu.memory_space<vmem>>
        %dma_wait3A_87 = tpu.memref_squeeze %dma_wait3A_86 : memref<1x128xi32, #tpu.memory_space<vmem>> -> memref<128xi32, #tpu.memory_space<vmem>>
        %dma_wait3A_88 = arith.constant 0 : i32
        %dma_wait3A_89 = arith.constant 0 : i32
        %dma_wait3A_90 = tpu.memref_slice %arg2[%dma_wait3A_88, %dma_wait3A_89] : memref<10000x128xf32, #tpu.memory_space<hbm>> -> memref<10000x128xf32, #tpu.memory_space<hbm>>
        tpu.wait_indirect_dma semaphore(%arg12 : memref<!tpu.dma_semaphore, #tpu.memory_space<semaphore_mem>>) src(%dma_wait3A_90 : memref<10000x128xf32, #tpu.memory_space<hbm>>) dst(%arg10 : memref<128x128xf32, #tpu.memory_space<vmem>>)
        %add3A_91 = arith.constant 1 : i32
        %add3A_92 = arith.addi %mul3A_70, %add3A_91 : i32
        %dma_start3A_93 = arith.constant 0 : i32
        %dma_start3A_94 = tpu.memref_slice %arg8[%add3A_92, %dma_start3A_93] : memref<16x128xi32, #tpu.memory_space<vmem>> -> memref<1x128xi32, #tpu.memory_space<vmem>>
        %dma_start3A_95 = tpu.memref_squeeze %dma_start3A_94 : memref<1x128xi32, #tpu.memory_space<vmem>> -> memref<128xi32, #tpu.memory_space<vmem>>
        %dma_start3A_96 = arith.constant 0 : i32
        %dma_start3A_97 = arith.constant 0 : i32
        %dma_start3A_98 = tpu.memref_slice %arg15[%dma_start3A_96, %dma_start3A_97] : memref<10240x128xf32, #tpu.memory_space<vmem_shared>> -> memref<10240x128xf32, #tpu.memory_space<vmem_shared>>
        tpu.enqueue_indirect_dma source(%arg10 : memref<128x128xf32, #tpu.memory_space<vmem>>) target(%dma_start3A_98 : memref<10240x128xf32, #tpu.memory_space<vmem_shared>>) offsets(%dma_start3A_95 : memref<128xi32, #tpu.memory_space<vmem>>) semaphore(%arg14 : memref<!tpu.dma_semaphore, #tpu.memory_space<semaphore_mem>>) {add = true}
        %dma_wait3A_99 = arith.constant 0 : i32
        %dma_wait3A_100 = tpu.memref_slice %arg8[%mul3A_70, %dma_wait3A_99] : memref<16x128xi32, #tpu.memory_space<vmem>> -> memref<1x128xi32, #tpu.memory_space<vmem>>
        %dma_wait3A_101 = tpu.memref_squeeze %dma_wait3A_100 : memref<1x128xi32, #tpu.memory_space<vmem>> -> memref<128xi32, #tpu.memory_space<vmem>>
        %dma_wait3A_102 = arith.constant 0 : i32
        %dma_wait3A_103 = arith.constant 0 : i32
        %dma_wait3A_104 = tpu.memref_slice %arg15[%dma_wait3A_102, %dma_wait3A_103] : memref<10240x128xf32, #tpu.memory_space<vmem_shared>> -> memref<10240x128xf32, #tpu.memory_space<vmem_shared>>
        tpu.wait_indirect_dma semaphore(%arg13 : memref<!tpu.dma_semaphore, #tpu.memory_space<semaphore_mem>>) src(%arg9 : memref<128x128xf32, #tpu.memory_space<vmem>>) dst(%dma_wait3A_104 : memref<10240x128xf32, #tpu.memory_space<vmem_shared>>)
        %add3A_105 = arith.constant 2 : i32
        %add3A_106 = arith.addi %mul3A_70, %add3A_105 : i32
        %dma_start3A_107 = arith.constant 0 : i32
        %dma_start3A_108 = tpu.memref_slice %arg7[%add3A_106, %dma_start3A_107] : memref<18x128xi32, #tpu.memory_space<vmem>> -> memref<1x128xi32, #tpu.memory_space<vmem>>
        %dma_start3A_109 = tpu.memref_squeeze %dma_start3A_108 : memref<1x128xi32, #tpu.memory_space<vmem>> -> memref<128xi32, #tpu.memory_space<vmem>>
        %dma_start3A_110 = arith.constant 0 : i32
        %dma_start3A_111 = arith.constant 0 : i32
        %dma_start3A_112 = tpu.memref_slice %arg2[%dma_start3A_110, %dma_start3A_111] : memref<10000x128xf32, #tpu.memory_space<hbm>> -> memref<10000x128xf32, #tpu.memory_space<hbm>>
        tpu.enqueue_indirect_dma source(%dma_start3A_112 : memref<10000x128xf32, #tpu.memory_space<hbm>>) target(%arg9 : memref<128x128xf32, #tpu.memory_space<vmem>>) offsets(%dma_start3A_109 : memref<128xi32, #tpu.memory_space<vmem>>) semaphore(%arg11 : memref<!tpu.dma_semaphore, #tpu.memory_space<semaphore_mem>>)
        %add3A_113 = arith.constant 1 : i32
        %add3A_114 = arith.addi %mul3A_70, %add3A_113 : i32
        %dma_wait3A_115 = arith.constant 0 : i32
        %dma_wait3A_116 = tpu.memref_slice %arg8[%add3A_114, %dma_wait3A_115] : memref<16x128xi32, #tpu.memory_space<vmem>> -> memref<1x128xi32, #tpu.memory_space<vmem>>
        %dma_wait3A_117 = tpu.memref_squeeze %dma_wait3A_116 : memref<1x128xi32, #tpu.memory_space<vmem>> -> memref<128xi32, #tpu.memory_space<vmem>>
        %dma_wait3A_118 = arith.constant 0 : i32
        %dma_wait3A_119 = arith.constant 0 : i32
        %dma_wait3A_120 = tpu.memref_slice %arg15[%dma_wait3A_118, %dma_wait3A_119] : memref<10240x128xf32, #tpu.memory_space<vmem_shared>> -> memref<10240x128xf32, #tpu.memory_space<vmem_shared>>
        tpu.wait_indirect_dma semaphore(%arg14 : memref<!tpu.dma_semaphore, #tpu.memory_space<semaphore_mem>>) src(%arg10 : memref<128x128xf32, #tpu.memory_space<vmem>>) dst(%dma_wait3A_120 : memref<10240x128xf32, #tpu.memory_space<vmem_shared>>)
        %add3A_121 = arith.constant 3 : i32
        %add3A_122 = arith.addi %mul3A_70, %add3A_121 : i32
        %dma_start3A_123 = arith.constant 0 : i32
        %dma_start3A_124 = tpu.memref_slice %arg7[%add3A_122, %dma_start3A_123] : memref<18x128xi32, #tpu.memory_space<vmem>> -> memref<1x128xi32, #tpu.memory_space<vmem>>
        %dma_start3A_125 = tpu.memref_squeeze %dma_start3A_124 : memref<1x128xi32, #tpu.memory_space<vmem>> -> memref<128xi32, #tpu.memory_space<vmem>>
        %dma_start3A_126 = arith.constant 0 : i32
        %dma_start3A_127 = arith.constant 0 : i32
        %dma_start3A_128 = tpu.memref_slice %arg2[%dma_start3A_126, %dma_start3A_127] : memref<10000x128xf32, #tpu.memory_space<hbm>> -> memref<10000x128xf32, #tpu.memory_space<hbm>>
        tpu.enqueue_indirect_dma source(%dma_start3A_128 : memref<10000x128xf32, #tpu.memory_space<hbm>>) target(%arg10 : memref<128x128xf32, #tpu.memory_space<vmem>>) offsets(%dma_start3A_125 : memref<128xi32, #tpu.memory_space<vmem>>) semaphore(%arg12 : memref<!tpu.dma_semaphore, #tpu.memory_space<semaphore_mem>>)
      }
      %scan3A_50 = arith.constant 8 : i32
      %dma_wait3A = arith.constant 16 : i32
      %dma_wait3A_51 = arith.constant 0 : i32
      %dma_wait3A_52 = tpu.memref_slice %arg7[%dma_wait3A, %dma_wait3A_51] : memref<18x128xi32, #tpu.memory_space<vmem>> -> memref<1x128xi32, #tpu.memory_space<vmem>>
      %dma_wait3A_53 = tpu.memref_squeeze %dma_wait3A_52 : memref<1x128xi32, #tpu.memory_space<vmem>> -> memref<128xi32, #tpu.memory_space<vmem>>
      %dma_wait3A_54 = arith.constant 0 : i32
      %dma_wait3A_55 = arith.constant 0 : i32
      %dma_wait3A_56 = tpu.memref_slice %arg2[%dma_wait3A_54, %dma_wait3A_55] : memref<10000x128xf32, #tpu.memory_space<hbm>> -> memref<10000x128xf32, #tpu.memory_space<hbm>>
      tpu.wait_indirect_dma semaphore(%arg11 : memref<!tpu.dma_semaphore, #tpu.memory_space<semaphore_mem>>) src(%dma_wait3A_56 : memref<10000x128xf32, #tpu.memory_space<hbm>>) dst(%arg9 : memref<128x128xf32, #tpu.memory_space<vmem>>)
      %dma_wait3A_57 = arith.constant 17 : i32
      %dma_wait3A_58 = arith.constant 0 : i32
      %dma_wait3A_59 = tpu.memref_slice %arg7[%dma_wait3A_57, %dma_wait3A_58] : memref<18x128xi32, #tpu.memory_space<vmem>> -> memref<1x128xi32, #tpu.memory_space<vmem>>
      %dma_wait3A_60 = tpu.memref_squeeze %dma_wait3A_59 : memref<1x128xi32, #tpu.memory_space<vmem>> -> memref<128xi32, #tpu.memory_space<vmem>>
      %dma_wait3A_61 = arith.constant 0 : i32
      %dma_wait3A_62 = arith.constant 0 : i32
      %dma_wait3A_63 = tpu.memref_slice %arg2[%dma_wait3A_61, %dma_wait3A_62] : memref<10000x128xf32, #tpu.memory_space<hbm>> -> memref<10000x128xf32, #tpu.memory_space<hbm>>
      tpu.wait_indirect_dma semaphore(%arg12 : memref<!tpu.dma_semaphore, #tpu.memory_space<semaphore_mem>>) src(%dma_wait3A_63 : memref<10000x128xf32, #tpu.memory_space<hbm>>) dst(%arg10 : memref<128x128xf32, #tpu.memory_space<vmem>>)
    }
    %while3A_26 = arith.constant 1 : i32
    scf.for %while3A_28 = %while3A_24 to %while3A_20 step %while3A_26  : i32 {
      %mul3A_29 = arith.muli %while3A_28, %while3A : i32
      %add3A_30 = arith.addi %while3A_17, %mul3A_29 : i32
      %mul3A_31 = arith.constant 16 : i32
      %mul3A_32 = arith.muli %add3A_30, %mul3A_31 : i32
      %add3A_33 = arith.addi %select_n3A, %mul3A_32 : i32
      %multiple_of3A = tpu.assume_multiple %add3A_33, 8 : i32
      "tpu.region"() ({
        %run_scoped3A = tpu.sem_alloc : memref<!tpu.dma_semaphore, #tpu.memory_space<semaphore_mem>>
        %dma_start3A_64 = arith.constant 0 : i32
        %dma_start3A_65 = arith.constant 0 : i32
        %dma_start3A_66 = tpu.memref_slice %arg7[%dma_start3A_64, %dma_start3A_65] : memref<18x128xi32, #tpu.memory_space<vmem>> -> memref<16x128xi32, #tpu.memory_space<vmem>>
        %dma_start3A_67 = arith.constant 0 : i32
        %dma_start3A_68 = tpu.memref_slice %arg3[%multiple_of3A, %dma_start3A_67] : memref<2560x128xi32, #tpu.memory_space<hbm>> -> memref<16x128xi32, #tpu.memory_space<hbm>>
        %dma_start3A_69 = arith.constant 0 : i32
        %dma_start3A_70 = arith.constant 0 : i32
        %dma_start3A_71 = tpu.memref_slice %arg7[%dma_start3A_69, %dma_start3A_70] : memref<18x128xi32, #tpu.memory_space<vmem>> -> memref<16x128xi32, #tpu.memory_space<vmem>>
        %dma_start3A_72 = arith.constant 0 : i32
        %dma_start3A_73 = tpu.memref_slice %arg3[%multiple_of3A, %dma_start3A_72] : memref<2560x128xi32, #tpu.memory_space<hbm>> -> memref<16x128xi32, #tpu.memory_space<hbm>>
        tpu.enqueue_dma source(%dma_start3A_73 : memref<16x128xi32, #tpu.memory_space<hbm>>) target(%dma_start3A_71 : memref<16x128xi32, #tpu.memory_space<vmem>>) target_semaphore(%run_scoped3A : memref<!tpu.dma_semaphore, #tpu.memory_space<semaphore_mem>>)
        %dma_wait3A_74 = arith.constant 0 : i32
        %dma_wait3A_75 = arith.constant 0 : i32
        %dma_wait3A_76 = tpu.memref_slice %arg7[%dma_wait3A_74, %dma_wait3A_75] : memref<18x128xi32, #tpu.memory_space<vmem>> -> memref<16x128xi32, #tpu.memory_space<vmem>>
        %dma_wait3A_77 = arith.constant 0 : i32
        %dma_wait3A_78 = tpu.memref_slice %arg3[%multiple_of3A, %dma_wait3A_77] : memref<2560x128xi32, #tpu.memory_space<hbm>> -> memref<16x128xi32, #tpu.memory_space<hbm>>
        %dma_wait3A_79 = arith.constant 0 : i32
        %dma_wait3A_80 = arith.constant 0 : i32
        %dma_wait3A_81 = tpu.memref_slice %arg7[%dma_wait3A_79, %dma_wait3A_80] : memref<18x128xi32, #tpu.memory_space<vmem>> -> memref<16x128xi32, #tpu.memory_space<vmem>>
        %dma_wait3A_82 = arith.constant 0 : i32
        %dma_wait3A_83 = tpu.memref_slice %arg3[%multiple_of3A, %dma_wait3A_82] : memref<2560x128xi32, #tpu.memory_space<hbm>> -> memref<16x128xi32, #tpu.memory_space<hbm>>
        tpu.wait_dma2 semaphore(%run_scoped3A : memref<!tpu.dma_semaphore, #tpu.memory_space<semaphore_mem>>) src(%dma_wait3A_83 : memref<16x128xi32, #tpu.memory_space<hbm>>) dst(%dma_wait3A_81 : memref<16x128xi32, #tpu.memory_space<vmem>>)
        tpu.yield
      }) : () -> ()
      "tpu.region"() ({
        %run_scoped3A = tpu.sem_alloc : memref<!tpu.dma_semaphore, #tpu.memory_space<semaphore_mem>>
        %dma_start3A_64 = arith.constant 16 : i32
        %dma_start3A_65 = arith.constant 0 : i32
        %dma_start3A_66 = tpu.memref_slice %arg7[%dma_start3A_64, %dma_start3A_65] : memref<18x128xi32, #tpu.memory_space<vmem>> -> memref<2x128xi32, #tpu.memory_space<vmem>>
        %dma_start3A_67 = arith.constant 0 : i32
        %dma_start3A_68 = arith.constant 0 : i32
        %dma_start3A_69 = tpu.memref_slice %arg3[%dma_start3A_67, %dma_start3A_68] : memref<2560x128xi32, #tpu.memory_space<hbm>> -> memref<2x128xi32, #tpu.memory_space<hbm>>
        %dma_start3A_70 = arith.constant 16 : i32
        %dma_start3A_71 = arith.constant 0 : i32
        %dma_start3A_72 = tpu.memref_slice %arg7[%dma_start3A_70, %dma_start3A_71] : memref<18x128xi32, #tpu.memory_space<vmem>> -> memref<2x128xi32, #tpu.memory_space<vmem>>
        %dma_start3A_73 = arith.constant 0 : i32
        %dma_start3A_74 = arith.constant 0 : i32
        %dma_start3A_75 = tpu.memref_slice %arg3[%dma_start3A_73, %dma_start3A_74] : memref<2560x128xi32, #tpu.memory_space<hbm>> -> memref<2x128xi32, #tpu.memory_space<hbm>>
        tpu.enqueue_dma source(%dma_start3A_75 : memref<2x128xi32, #tpu.memory_space<hbm>>) target(%dma_start3A_72 : memref<2x128xi32, #tpu.memory_space<vmem>>) target_semaphore(%run_scoped3A : memref<!tpu.dma_semaphore, #tpu.memory_space<semaphore_mem>>)
        %dma_wait3A_76 = arith.constant 16 : i32
        %dma_wait3A_77 = arith.constant 0 : i32
        %dma_wait3A_78 = tpu.memref_slice %arg7[%dma_wait3A_76, %dma_wait3A_77] : memref<18x128xi32, #tpu.memory_space<vmem>> -> memref<2x128xi32, #tpu.memory_space<vmem>>
        %dma_wait3A_79 = arith.constant 0 : i32
        %dma_wait3A_80 = arith.constant 0 : i32
        %dma_wait3A_81 = tpu.memref_slice %arg3[%dma_wait3A_79, %dma_wait3A_80] : memref<2560x128xi32, #tpu.memory_space<hbm>> -> memref<2x128xi32, #tpu.memory_space<hbm>>
        %dma_wait3A_82 = arith.constant 16 : i32
        %dma_wait3A_83 = arith.constant 0 : i32
        %dma_wait3A_84 = tpu.memref_slice %arg7[%dma_wait3A_82, %dma_wait3A_83] : memref<18x128xi32, #tpu.memory_space<vmem>> -> memref<2x128xi32, #tpu.memory_space<vmem>>
        %dma_wait3A_85 = arith.constant 0 : i32
        %dma_wait3A_86 = arith.constant 0 : i32
        %dma_wait3A_87 = tpu.memref_slice %arg3[%dma_wait3A_85, %dma_wait3A_86] : memref<2560x128xi32, #tpu.memory_space<hbm>> -> memref<2x128xi32, #tpu.memory_space<hbm>>
        tpu.wait_dma2 semaphore(%run_scoped3A : memref<!tpu.dma_semaphore, #tpu.memory_space<semaphore_mem>>) src(%dma_wait3A_87 : memref<2x128xi32, #tpu.memory_space<hbm>>) dst(%dma_wait3A_84 : memref<2x128xi32, #tpu.memory_space<vmem>>)
        tpu.yield
      }) : () -> ()
      "tpu.region"() ({
        %run_scoped3A = tpu.sem_alloc : memref<!tpu.dma_semaphore, #tpu.memory_space<semaphore_mem>>
        %dma_start3A_64 = arith.constant 0 : i32
        %dma_start3A_65 = tpu.memref_slice %arg4[%multiple_of3A, %dma_start3A_64] : memref<2560x128xi32, #tpu.memory_space<hbm>> -> memref<16x128xi32, #tpu.memory_space<hbm>>
        %dma_start3A_66 = arith.constant 0 : i32
        %dma_start3A_67 = tpu.memref_slice %arg4[%multiple_of3A, %dma_start3A_66] : memref<2560x128xi32, #tpu.memory_space<hbm>> -> memref<16x128xi32, #tpu.memory_space<hbm>>
        tpu.enqueue_dma source(%dma_start3A_67 : memref<16x128xi32, #tpu.memory_space<hbm>>) target(%arg8 : memref<16x128xi32, #tpu.memory_space<vmem>>) target_semaphore(%run_scoped3A : memref<!tpu.dma_semaphore, #tpu.memory_space<semaphore_mem>>)
        %dma_wait3A_68 = arith.constant 0 : i32
        %dma_wait3A_69 = tpu.memref_slice %arg4[%multiple_of3A, %dma_wait3A_68] : memref<2560x128xi32, #tpu.memory_space<hbm>> -> memref<16x128xi32, #tpu.memory_space<hbm>>
        %dma_wait3A_70 = arith.constant 0 : i32
        %dma_wait3A_71 = tpu.memref_slice %arg4[%multiple_of3A, %dma_wait3A_70] : memref<2560x128xi32, #tpu.memory_space<hbm>> -> memref<16x128xi32, #tpu.memory_space<hbm>>
        tpu.wait_dma2 semaphore(%run_scoped3A : memref<!tpu.dma_semaphore, #tpu.memory_space<semaphore_mem>>) src(%dma_wait3A_71 : memref<16x128xi32, #tpu.memory_space<hbm>>) dst(%arg8 : memref<16x128xi32, #tpu.memory_space<vmem>>)
        tpu.yield
      }) : () -> ()
      %dma_start3A = arith.constant 0 : i32
      %dma_start3A_34 = arith.constant 0 : i32
      %dma_start3A_35 = tpu.memref_slice %arg7[%dma_start3A, %dma_start3A_34] : memref<18x128xi32, #tpu.memory_space<vmem>> -> memref<1x128xi32, #tpu.memory_space<vmem>>
      %dma_start3A_36 = tpu.memref_squeeze %dma_start3A_35 : memref<1x128xi32, #tpu.memory_space<vmem>> -> memref<128xi32, #tpu.memory_space<vmem>>
      %dma_start3A_37 = arith.constant 0 : i32
      %dma_start3A_38 = arith.constant 0 : i32
      %dma_start3A_39 = tpu.memref_slice %arg2[%dma_start3A_37, %dma_start3A_38] : memref<10000x128xf32, #tpu.memory_space<hbm>> -> memref<10000x128xf32, #tpu.memory_space<hbm>>
      tpu.enqueue_indirect_dma source(%dma_start3A_39 : memref<10000x128xf32, #tpu.memory_space<hbm>>) target(%arg9 : memref<128x128xf32, #tpu.memory_space<vmem>>) offsets(%dma_start3A_36 : memref<128xi32, #tpu.memory_space<vmem>>) semaphore(%arg11 : memref<!tpu.dma_semaphore, #tpu.memory_space<semaphore_mem>>)
      %dma_start3A_40 = arith.constant 1 : i32
      %dma_start3A_41 = arith.constant 0 : i32
      %dma_start3A_42 = tpu.memref_slice %arg7[%dma_start3A_40, %dma_start3A_41] : memref<18x128xi32, #tpu.memory_space<vmem>> -> memref<1x128xi32, #tpu.memory_space<vmem>>
      %dma_start3A_43 = tpu.memref_squeeze %dma_start3A_42 : memref<1x128xi32, #tpu.memory_space<vmem>> -> memref<128xi32, #tpu.memory_space<vmem>>
      %dma_start3A_44 = arith.constant 0 : i32
      %dma_start3A_45 = arith.constant 0 : i32
      %dma_start3A_46 = tpu.memref_slice %arg2[%dma_start3A_44, %dma_start3A_45] : memref<10000x128xf32, #tpu.memory_space<hbm>> -> memref<10000x128xf32, #tpu.memory_space<hbm>>
      tpu.enqueue_indirect_dma source(%dma_start3A_46 : memref<10000x128xf32, #tpu.memory_space<hbm>>) target(%arg10 : memref<128x128xf32, #tpu.memory_space<vmem>>) offsets(%dma_start3A_43 : memref<128xi32, #tpu.memory_space<vmem>>) semaphore(%arg12 : memref<!tpu.dma_semaphore, #tpu.memory_space<semaphore_mem>>)
      %scan3A = arith.constant 0 : i32
      %scan3A_47 = arith.constant 8 : i32
      %scan3A_48 = arith.addi %scan3A, %scan3A_47 : i32
      %scan3A_49 = arith.constant 1 : i32
      scf.for %scan3A_64 = %scan3A to %scan3A_48 step %scan3A_49  : i32 {
        %mul3A_65 = arith.constant 1 : i32
        %mul3A_66 = arith.muli %scan3A_64, %mul3A_65 : i32
        %add3A_67 = arith.constant 0 : i32
        %add3A_68 = arith.addi %add3A_67, %mul3A_66 : i32
        %mul3A_69 = arith.constant 2 : i32
        %mul3A_70 = arith.muli %mul3A_69, %add3A_68 : i32
        %dma_wait3A_71 = arith.constant 0 : i32
        %dma_wait3A_72 = tpu.memref_slice %arg7[%mul3A_70, %dma_wait3A_71] : memref<18x128xi32, #tpu.memory_space<vmem>> -> memref<1x128xi32, #tpu.memory_space<vmem>>
        %dma_wait3A_73 = tpu.memref_squeeze %dma_wait3A_72 : memref<1x128xi32, #tpu.memory_space<vmem>> -> memref<128xi32, #tpu.memory_space<vmem>>
        %dma_wait3A_74 = arith.constant 0 : i32
        %dma_wait3A_75 = arith.constant 0 : i32
        %dma_wait3A_76 = tpu.memref_slice %arg2[%dma_wait3A_74, %dma_wait3A_75] : memref<10000x128xf32, #tpu.memory_space<hbm>> -> memref<10000x128xf32, #tpu.memory_space<hbm>>
        tpu.wait_indirect_dma semaphore(%arg11 : memref<!tpu.dma_semaphore, #tpu.memory_space<semaphore_mem>>) src(%dma_wait3A_76 : memref<10000x128xf32, #tpu.memory_space<hbm>>) dst(%arg9 : memref<128x128xf32, #tpu.memory_space<vmem>>)
        %dma_start3A_77 = arith.constant 0 : i32
        %dma_start3A_78 = tpu.memref_slice %arg8[%mul3A_70, %dma_start3A_77] : memref<16x128xi32, #tpu.memory_space<vmem>> -> memref<1x128xi32, #tpu.memory_space<vmem>>
        %dma_start3A_79 = tpu.memref_squeeze %dma_start3A_78 : memref<1x128xi32, #tpu.memory_space<vmem>> -> memref<128xi32, #tpu.memory_space<vmem>>
        %dma_start3A_80 = arith.constant 0 : i32
        %dma_start3A_81 = arith.constant 0 : i32
        %dma_start3A_82 = tpu.memref_slice %arg15[%dma_start3A_80, %dma_start3A_81] : memref<10240x128xf32, #tpu.memory_space<vmem_shared>> -> memref<10240x128xf32, #tpu.memory_space<vmem_shared>>
        tpu.enqueue_indirect_dma source(%arg9 : memref<128x128xf32, #tpu.memory_space<vmem>>) target(%dma_start3A_82 : memref<10240x128xf32, #tpu.memory_space<vmem_shared>>) offsets(%dma_start3A_79 : memref<128xi32, #tpu.memory_space<vmem>>) semaphore(%arg13 : memref<!tpu.dma_semaphore, #tpu.memory_space<semaphore_mem>>) {add = true}
        %add3A_83 = arith.constant 1 : i32
        %add3A_84 = arith.addi %mul3A_70, %add3A_83 : i32
        %dma_wait3A_85 = arith.constant 0 : i32
        %dma_wait3A_86 = tpu.memref_slice %arg7[%add3A_84, %dma_wait3A_85] : memref<18x128xi32, #tpu.memory_space<vmem>> -> memref<1x128xi32, #tpu.memory_space<vmem>>
        %dma_wait3A_87 = tpu.memref_squeeze %dma_wait3A_86 : memref<1x128xi32, #tpu.memory_space<vmem>> -> memref<128xi32, #tpu.memory_space<vmem>>
        %dma_wait3A_88 = arith.constant 0 : i32
        %dma_wait3A_89 = arith.constant 0 : i32
        %dma_wait3A_90 = tpu.memref_slice %arg2[%dma_wait3A_88, %dma_wait3A_89] : memref<10000x128xf32, #tpu.memory_space<hbm>> -> memref<10000x128xf32, #tpu.memory_space<hbm>>
        tpu.wait_indirect_dma semaphore(%arg12 : memref<!tpu.dma_semaphore, #tpu.memory_space<semaphore_mem>>) src(%dma_wait3A_90 : memref<10000x128xf32, #tpu.memory_space<hbm>>) dst(%arg10 : memref<128x128xf32, #tpu.memory_space<vmem>>)
        %add3A_91 = arith.constant 1 : i32
        %add3A_92 = arith.addi %mul3A_70, %add3A_91 : i32
        %dma_start3A_93 = arith.constant 0 : i32
        %dma_start3A_94 = tpu.memref_slice %arg8[%add3A_92, %dma_start3A_93] : memref<16x128xi32, #tpu.memory_space<vmem>> -> memref<1x128xi32, #tpu.memory_space<vmem>>
        %dma_start3A_95 = tpu.memref_squeeze %dma_start3A_94 : memref<1x128xi32, #tpu.memory_space<vmem>> -> memref<128xi32, #tpu.memory_space<vmem>>
        %dma_start3A_96 = arith.constant 0 : i32
        %dma_start3A_97 = arith.constant 0 : i32
        %dma_start3A_98 = tpu.memref_slice %arg15[%dma_start3A_96, %dma_start3A_97] : memref<10240x128xf32, #tpu.memory_space<vmem_shared>> -> memref<10240x128xf32, #tpu.memory_space<vmem_shared>>
        tpu.enqueue_indirect_dma source(%arg10 : memref<128x128xf32, #tpu.memory_space<vmem>>) target(%dma_start3A_98 : memref<10240x128xf32, #tpu.memory_space<vmem_shared>>) offsets(%dma_start3A_95 : memref<128xi32, #tpu.memory_space<vmem>>) semaphore(%arg14 : memref<!tpu.dma_semaphore, #tpu.memory_space<semaphore_mem>>) {add = true}
        %dma_wait3A_99 = arith.constant 0 : i32
        %dma_wait3A_100 = tpu.memref_slice %arg8[%mul3A_70, %dma_wait3A_99] : memref<16x128xi32, #tpu.memory_space<vmem>> -> memref<1x128xi32, #tpu.memory_space<vmem>>
        %dma_wait3A_101 = tpu.memref_squeeze %dma_wait3A_100 : memref<1x128xi32, #tpu.memory_space<vmem>> -> memref<128xi32, #tpu.memory_space<vmem>>
        %dma_wait3A_102 = arith.constant 0 : i32
        %dma_wait3A_103 = arith.constant 0 : i32
        %dma_wait3A_104 = tpu.memref_slice %arg15[%dma_wait3A_102, %dma_wait3A_103] : memref<10240x128xf32, #tpu.memory_space<vmem_shared>> -> memref<10240x128xf32, #tpu.memory_space<vmem_shared>>
        tpu.wait_indirect_dma semaphore(%arg13 : memref<!tpu.dma_semaphore, #tpu.memory_space<semaphore_mem>>) src(%arg9 : memref<128x128xf32, #tpu.memory_space<vmem>>) dst(%dma_wait3A_104 : memref<10240x128xf32, #tpu.memory_space<vmem_shared>>)
        %add3A_105 = arith.constant 2 : i32
        %add3A_106 = arith.addi %mul3A_70, %add3A_105 : i32
        %dma_start3A_107 = arith.constant 0 : i32
        %dma_start3A_108 = tpu.memref_slice %arg7[%add3A_106, %dma_start3A_107] : memref<18x128xi32, #tpu.memory_space<vmem>> -> memref<1x128xi32, #tpu.memory_space<vmem>>
        %dma_start3A_109 = tpu.memref_squeeze %dma_start3A_108 : memref<1x128xi32, #tpu.memory_space<vmem>> -> memref<128xi32, #tpu.memory_space<vmem>>
        %dma_start3A_110 = arith.constant 0 : i32
        %dma_start3A_111 = arith.constant 0 : i32
        %dma_start3A_112 = tpu.memref_slice %arg2[%dma_start3A_110, %dma_start3A_111] : memref<10000x128xf32, #tpu.memory_space<hbm>> -> memref<10000x128xf32, #tpu.memory_space<hbm>>
        tpu.enqueue_indirect_dma source(%dma_start3A_112 : memref<10000x128xf32, #tpu.memory_space<hbm>>) target(%arg9 : memref<128x128xf32, #tpu.memory_space<vmem>>) offsets(%dma_start3A_109 : memref<128xi32, #tpu.memory_space<vmem>>) semaphore(%arg11 : memref<!tpu.dma_semaphore, #tpu.memory_space<semaphore_mem>>)
        %add3A_113 = arith.constant 1 : i32
        %add3A_114 = arith.addi %mul3A_70, %add3A_113 : i32
        %dma_wait3A_115 = arith.constant 0 : i32
        %dma_wait3A_116 = tpu.memref_slice %arg8[%add3A_114, %dma_wait3A_115] : memref<16x128xi32, #tpu.memory_space<vmem>> -> memref<1x128xi32, #tpu.memory_space<vmem>>
        %dma_wait3A_117 = tpu.memref_squeeze %dma_wait3A_116 : memref<1x128xi32, #tpu.memory_space<vmem>> -> memref<128xi32, #tpu.memory_space<vmem>>
        %dma_wait3A_118 = arith.constant 0 : i32
        %dma_wait3A_119 = arith.constant 0 : i32
        %dma_wait3A_120 = tpu.memref_slice %arg15[%dma_wait3A_118, %dma_wait3A_119] : memref<10240x128xf32, #tpu.memory_space<vmem_shared>> -> memref<10240x128xf32, #tpu.memory_space<vmem_shared>>
        tpu.wait_indirect_dma semaphore(%arg14 : memref<!tpu.dma_semaphore, #tpu.memory_space<semaphore_mem>>) src(%arg10 : memref<128x128xf32, #tpu.memory_space<vmem>>) dst(%dma_wait3A_120 : memref<10240x128xf32, #tpu.memory_space<vmem_shared>>)
        %add3A_121 = arith.constant 3 : i32
        %add3A_122 = arith.addi %mul3A_70, %add3A_121 : i32
        %dma_start3A_123 = arith.constant 0 : i32
        %dma_start3A_124 = tpu.memref_slice %arg7[%add3A_122, %dma_start3A_123] : memref<18x128xi32, #tpu.memory_space<vmem>> -> memref<1x128xi32, #tpu.memory_space<vmem>>
        %dma_start3A_125 = tpu.memref_squeeze %dma_start3A_124 : memref<1x128xi32, #tpu.memory_space<vmem>> -> memref<128xi32, #tpu.memory_space<vmem>>
        %dma_start3A_126 = arith.constant 0 : i32
        %dma_start3A_127 = arith.constant 0 : i32
        %dma_start3A_128 = tpu.memref_slice %arg2[%dma_start3A_126, %dma_start3A_127] : memref<10000x128xf32, #tpu.memory_space<hbm>> -> memref<10000x128xf32, #tpu.memory_space<hbm>>
        tpu.enqueue_indirect_dma source(%dma_start3A_128 : memref<10000x128xf32, #tpu.memory_space<hbm>>) target(%arg10 : memref<128x128xf32, #tpu.memory_space<vmem>>) offsets(%dma_start3A_125 : memref<128xi32, #tpu.memory_space<vmem>>) semaphore(%arg12 : memref<!tpu.dma_semaphore, #tpu.memory_space<semaphore_mem>>)
      }
      %scan3A_50 = arith.constant 8 : i32
      %dma_wait3A = arith.constant 16 : i32
      %dma_wait3A_51 = arith.constant 0 : i32
      %dma_wait3A_52 = tpu.memref_slice %arg7[%dma_wait3A, %dma_wait3A_51] : memref<18x128xi32, #tpu.memory_space<vmem>> -> memref<1x128xi32, #tpu.memory_space<vmem>>
      %dma_wait3A_53 = tpu.memref_squeeze %dma_wait3A_52 : memref<1x128xi32, #tpu.memory_space<vmem>> -> memref<128xi32, #tpu.memory_space<vmem>>
      %dma_wait3A_54 = arith.constant 0 : i32
      %dma_wait3A_55 = arith.constant 0 : i32
      %dma_wait3A_56 = tpu.memref_slice %arg2[%dma_wait3A_54, %dma_wait3A_55] : memref<10000x128xf32, #tpu.memory_space<hbm>> -> memref<10000x128xf32, #tpu.memory_space<hbm>>
      tpu.wait_indirect_dma semaphore(%arg11 : memref<!tpu.dma_semaphore, #tpu.memory_space<semaphore_mem>>) src(%dma_wait3A_56 : memref<10000x128xf32, #tpu.memory_space<hbm>>) dst(%arg9 : memref<128x128xf32, #tpu.memory_space<vmem>>)
      %dma_wait3A_57 = arith.constant 17 : i32
      %dma_wait3A_58 = arith.constant 0 : i32
      %dma_wait3A_59 = tpu.memref_slice %arg7[%dma_wait3A_57, %dma_wait3A_58] : memref<18x128xi32, #tpu.memory_space<vmem>> -> memref<1x128xi32, #tpu.memory_space<vmem>>
      %dma_wait3A_60 = tpu.memref_squeeze %dma_wait3A_59 : memref<1x128xi32, #tpu.memory_space<vmem>> -> memref<128xi32, #tpu.memory_space<vmem>>
      %dma_wait3A_61 = arith.constant 0 : i32
      %dma_wait3A_62 = arith.constant 0 : i32
      %dma_wait3A_63 = tpu.memref_slice %arg2[%dma_wait3A_61, %dma_wait3A_62] : memref<10000x128xf32, #tpu.memory_space<hbm>> -> memref<10000x128xf32, #tpu.memory_space<hbm>>
      tpu.wait_indirect_dma semaphore(%arg12 : memref<!tpu.dma_semaphore, #tpu.memory_space<semaphore_mem>>) src(%dma_wait3A_63 : memref<10000x128xf32, #tpu.memory_space<hbm>>) dst(%arg10 : memref<128x128xf32, #tpu.memory_space<vmem>>)
    }
    %barrier3A_27 = arith.constant 0 : index
    tpu.barrier barrier_id(%barrier3A_27)
    "tpu.region"() ({
      %run_scoped3A = tpu.sem_alloc : memref<!tpu.dma_semaphore, #tpu.memory_space<semaphore_mem>>
      %dma_start3A = arith.constant 0 : i32
      %dma_start3A_28 = tpu.memref_slice %arg6[%arg0, %mul3A_0, %dma_start3A] : memref<2x10240x128xf32, #tpu.memory_space<hbm>> -> memref<1x640x128xf32, #tpu.memory_space<hbm>>
      %dma_start3A_29 = tpu.memref_squeeze %dma_start3A_28 : memref<1x640x128xf32, #tpu.memory_space<hbm>> -> memref<640x128xf32, #tpu.memory_space<hbm>>
      %dma_start3A_30 = arith.constant 0 : i32
      %dma_start3A_31 = tpu.memref_slice %arg15[%mul3A_0, %dma_start3A_30] : memref<10240x128xf32, #tpu.memory_space<vmem_shared>> -> memref<640x128xf32, #tpu.memory_space<vmem_shared>>
      tpu.enqueue_dma source(%dma_start3A_31 : memref<640x128xf32, #tpu.memory_space<vmem_shared>>) target(%dma_start3A_29 : memref<640x128xf32, #tpu.memory_space<hbm>>) target_semaphore(%run_scoped3A : memref<!tpu.dma_semaphore, #tpu.memory_space<semaphore_mem>>)
      %dma_wait3A = arith.constant 0 : i32
      %dma_wait3A_32 = tpu.memref_slice %arg6[%arg0, %mul3A_0, %dma_wait3A] : memref<2x10240x128xf32, #tpu.memory_space<hbm>> -> memref<1x640x128xf32, #tpu.memory_space<hbm>>
      %dma_wait3A_33 = tpu.memref_squeeze %dma_wait3A_32 : memref<1x640x128xf32, #tpu.memory_space<hbm>> -> memref<640x128xf32, #tpu.memory_space<hbm>>
      %dma_wait3A_34 = arith.constant 0 : i32
      %dma_wait3A_35 = tpu.memref_slice %arg15[%mul3A_0, %dma_wait3A_34] : memref<10240x128xf32, #tpu.memory_space<vmem_shared>> -> memref<640x128xf32, #tpu.memory_space<vmem_shared>>
      tpu.wait_dma2 semaphore(%run_scoped3A : memref<!tpu.dma_semaphore, #tpu.memory_space<semaphore_mem>>) src(%dma_wait3A_35 : memref<640x128xf32, #tpu.memory_space<vmem_shared>>) dst(%dma_wait3A_33 : memref<640x128xf32, #tpu.memory_space<hbm>>)
      tpu.yield
    }) : () -> ()
    return
  }
}

#map = affine_map<(d0, d1) -> (0, 0)>
#map1 = affine_map<(d0, d1) -> (0, 0, 0)>
module attributes {stable_mosaic.version = 14 : i64} {
  func.func @sc_seg_cnt(%arg0: i32, %arg1: i32, %arg2: memref<2560x128xi32, #tpu.memory_space<hbm>>, %arg3: memref<10240x128xf32, #tpu.memory_space<hbm>>, %arg4: memref<128x128xf32, #tpu.memory_space<hbm>>, %arg5: memref<2x10240x128xf32, #tpu.memory_space<hbm>>, %arg6: memref<80x128xi32, #tpu.memory_space<vmem>>, %arg7: memref<128x128xf32, #tpu.memory_space<vmem>>, %arg8: memref<10240x128xf32, #tpu.memory_space<vmem_shared>>, %arg9: memref<!tpu.dma_semaphore, #tpu.memory_space<semaphore_mem>>) attributes {dimension_semantics = [#tpu.dimension_semantics<core_parallel>, #tpu.dimension_semantics<subcore_parallel>], iteration_bounds = array<i64: 2, 16>, scalar_prefetch = 0 : i64, scratch_operands = 4 : i64, tpu.core_type = #tpu.core_type<sc_vector_subcore>, window_params = [{transform_indices = #map}, {transform_indices = #map}, {transform_indices = #map}, {transform_indices = #map1}]} {
    %mul3A = arith.constant 2 : i32
    %mul3A_0 = arith.muli %arg1, %mul3A : i32
    %add3A = arith.addi %mul3A_0, %arg0 : i32
    %mul3A_1 = arith.constant 640 : i32
    %mul3A_2 = arith.muli %arg1, %mul3A_1 : i32
    "tpu.region"() ({
      %run_scoped3A = tpu.sem_alloc : memref<!tpu.dma_semaphore, #tpu.memory_space<semaphore_mem>>
      %dma_start3A = arith.constant 0 : i32
      %dma_start3A_10 = tpu.memref_slice %arg8[%mul3A_2, %dma_start3A] : memref<10240x128xf32, #tpu.memory_space<vmem_shared>> -> memref<640x128xf32, #tpu.memory_space<vmem_shared>>
      %dma_start3A_11 = arith.constant 0 : i32
      %dma_start3A_12 = tpu.memref_slice %arg3[%mul3A_2, %dma_start3A_11] : memref<10240x128xf32, #tpu.memory_space<hbm>> -> memref<640x128xf32, #tpu.memory_space<hbm>>
      tpu.enqueue_dma source(%dma_start3A_12 : memref<640x128xf32, #tpu.memory_space<hbm>>) target(%dma_start3A_10 : memref<640x128xf32, #tpu.memory_space<vmem_shared>>) target_semaphore(%run_scoped3A : memref<!tpu.dma_semaphore, #tpu.memory_space<semaphore_mem>>)
      %dma_wait3A = arith.constant 0 : i32
      %dma_wait3A_13 = tpu.memref_slice %arg8[%mul3A_2, %dma_wait3A] : memref<10240x128xf32, #tpu.memory_space<vmem_shared>> -> memref<640x128xf32, #tpu.memory_space<vmem_shared>>
      %dma_wait3A_14 = arith.constant 0 : i32
      %dma_wait3A_15 = tpu.memref_slice %arg3[%mul3A_2, %dma_wait3A_14] : memref<10240x128xf32, #tpu.memory_space<hbm>> -> memref<640x128xf32, #tpu.memory_space<hbm>>
      tpu.wait_dma2 semaphore(%run_scoped3A : memref<!tpu.dma_semaphore, #tpu.memory_space<semaphore_mem>>) src(%dma_wait3A_15 : memref<640x128xf32, #tpu.memory_space<hbm>>) dst(%dma_wait3A_13 : memref<640x128xf32, #tpu.memory_space<vmem_shared>>)
      tpu.yield
    }) : () -> ()
    "tpu.region"() ({
      %run_scoped3A = tpu.sem_alloc : memref<!tpu.dma_semaphore, #tpu.memory_space<semaphore_mem>>
      tpu.enqueue_dma source(%arg4 : memref<128x128xf32, #tpu.memory_space<hbm>>) target(%arg7 : memref<128x128xf32, #tpu.memory_space<vmem>>) target_semaphore(%run_scoped3A : memref<!tpu.dma_semaphore, #tpu.memory_space<semaphore_mem>>)
      tpu.wait_dma2 semaphore(%run_scoped3A : memref<!tpu.dma_semaphore, #tpu.memory_space<semaphore_mem>>) src(%arg4 : memref<128x128xf32, #tpu.memory_space<hbm>>) dst(%arg7 : memref<128x128xf32, #tpu.memory_space<vmem>>)
      tpu.yield
    }) : () -> ()
    %barrier3A = arith.constant 0 : index
    tpu.barrier barrier_id(%barrier3A)
    %mul3A_3 = arith.constant 80 : i32
    %mul3A_4 = arith.muli %add3A, %mul3A_3 : i32
    "tpu.region"() ({
      %run_scoped3A = tpu.sem_alloc : memref<!tpu.dma_semaphore, #tpu.memory_space<semaphore_mem>>
      %dma_start3A = arith.constant 0 : i32
      %dma_start3A_10 = tpu.memref_slice %arg2[%mul3A_4, %dma_start3A] : memref<2560x128xi32, #tpu.memory_space<hbm>> -> memref<80x128xi32, #tpu.memory_space<hbm>>
      %dma_start3A_11 = arith.constant 0 : i32
      %dma_start3A_12 = tpu.memref_slice %arg2[%mul3A_4, %dma_start3A_11] : memref<2560x128xi32, #tpu.memory_space<hbm>> -> memref<80x128xi32, #tpu.memory_space<hbm>>
      tpu.enqueue_dma source(%dma_start3A_12 : memref<80x128xi32, #tpu.memory_space<hbm>>) target(%arg6 : memref<80x128xi32, #tpu.memory_space<vmem>>) target_semaphore(%run_scoped3A : memref<!tpu.dma_semaphore, #tpu.memory_space<semaphore_mem>>)
      %dma_wait3A = arith.constant 0 : i32
      %dma_wait3A_13 = tpu.memref_slice %arg2[%mul3A_4, %dma_wait3A] : memref<2560x128xi32, #tpu.memory_space<hbm>> -> memref<80x128xi32, #tpu.memory_space<hbm>>
      %dma_wait3A_14 = arith.constant 0 : i32
      %dma_wait3A_15 = tpu.memref_slice %arg2[%mul3A_4, %dma_wait3A_14] : memref<2560x128xi32, #tpu.memory_space<hbm>> -> memref<80x128xi32, #tpu.memory_space<hbm>>
      tpu.wait_dma2 semaphore(%run_scoped3A : memref<!tpu.dma_semaphore, #tpu.memory_space<semaphore_mem>>) src(%dma_wait3A_15 : memref<80x128xi32, #tpu.memory_space<hbm>>) dst(%arg6 : memref<80x128xi32, #tpu.memory_space<vmem>>)
      tpu.yield
    }) : () -> ()
    %scan3A = arith.constant 0 : i32
    %scan3A_5 = arith.constant 80 : i32
    %scan3A_6 = arith.addi %scan3A, %scan3A_5 : i32
    %scan3A_7 = arith.constant 1 : i32
    scf.for %scan3A_10 = %scan3A to %scan3A_6 step %scan3A_7  : i32 {
      %mul3A_11 = arith.constant 1 : i32
      %mul3A_12 = arith.muli %scan3A_10, %mul3A_11 : i32
      %add3A_13 = arith.constant 0 : i32
      %add3A_14 = arith.addi %add3A_13, %mul3A_12 : i32
      "tpu.region"() ({
        %run_scoped3A = tpu.sem_alloc : memref<!tpu.dma_semaphore, #tpu.memory_space<semaphore_mem>>
        %dma_start3A = arith.constant 0 : i32
        %dma_start3A_15 = tpu.memref_slice %arg6[%add3A_14, %dma_start3A] : memref<80x128xi32, #tpu.memory_space<vmem>> -> memref<1x128xi32, #tpu.memory_space<vmem>>
        %dma_start3A_16 = tpu.memref_squeeze %dma_start3A_15 : memref<1x128xi32, #tpu.memory_space<vmem>> -> memref<128xi32, #tpu.memory_space<vmem>>
        %dma_start3A_17 = arith.constant 0 : i32
        %dma_start3A_18 = arith.constant 0 : i32
        %dma_start3A_19 = tpu.memref_slice %arg8[%dma_start3A_17, %dma_start3A_18] : memref<10240x128xf32, #tpu.memory_space<vmem_shared>> -> memref<10240x128xf32, #tpu.memory_space<vmem_shared>>
        tpu.enqueue_indirect_dma source(%arg7 : memref<128x128xf32, #tpu.memory_space<vmem>>) target(%dma_start3A_19 : memref<10240x128xf32, #tpu.memory_space<vmem_shared>>) offsets(%dma_start3A_16 : memref<128xi32, #tpu.memory_space<vmem>>) semaphore(%run_scoped3A : memref<!tpu.dma_semaphore, #tpu.memory_space<semaphore_mem>>) {add = true}
        %dma_wait3A = arith.constant 0 : i32
        %dma_wait3A_20 = tpu.memref_slice %arg6[%add3A_14, %dma_wait3A] : memref<80x128xi32, #tpu.memory_space<vmem>> -> memref<1x128xi32, #tpu.memory_space<vmem>>
        %dma_wait3A_21 = tpu.memref_squeeze %dma_wait3A_20 : memref<1x128xi32, #tpu.memory_space<vmem>> -> memref<128xi32, #tpu.memory_space<vmem>>
        %dma_wait3A_22 = arith.constant 0 : i32
        %dma_wait3A_23 = arith.constant 0 : i32
        %dma_wait3A_24 = tpu.memref_slice %arg8[%dma_wait3A_22, %dma_wait3A_23] : memref<10240x128xf32, #tpu.memory_space<vmem_shared>> -> memref<10240x128xf32, #tpu.memory_space<vmem_shared>>
        tpu.wait_indirect_dma semaphore(%run_scoped3A : memref<!tpu.dma_semaphore, #tpu.memory_space<semaphore_mem>>) src(%arg7 : memref<128x128xf32, #tpu.memory_space<vmem>>) dst(%dma_wait3A_24 : memref<10240x128xf32, #tpu.memory_space<vmem_shared>>)
        tpu.yield
      }) : () -> ()
    }
    %scan3A_8 = arith.constant 80 : i32
    %barrier3A_9 = arith.constant 0 : index
    tpu.barrier barrier_id(%barrier3A_9)
    "tpu.region"() ({
      %run_scoped3A = tpu.sem_alloc : memref<!tpu.dma_semaphore, #tpu.memory_space<semaphore_mem>>
      %dma_start3A = arith.constant 0 : i32
      %dma_start3A_10 = tpu.memref_slice %arg5[%arg0, %mul3A_2, %dma_start3A] : memref<2x10240x128xf32, #tpu.memory_space<hbm>> -> memref<1x640x128xf32, #tpu.memory_space<hbm>>
      %dma_start3A_11 = tpu.memref_squeeze %dma_start3A_10 : memref<1x640x128xf32, #tpu.memory_space<hbm>> -> memref<640x128xf32, #tpu.memory_space<hbm>>
      %dma_start3A_12 = arith.constant 0 : i32
      %dma_start3A_13 = tpu.memref_slice %arg8[%mul3A_2, %dma_start3A_12] : memref<10240x128xf32, #tpu.memory_space<vmem_shared>> -> memref<640x128xf32, #tpu.memory_space<vmem_shared>>
      tpu.enqueue_dma source(%dma_start3A_13 : memref<640x128xf32, #tpu.memory_space<vmem_shared>>) target(%dma_start3A_11 : memref<640x128xf32, #tpu.memory_space<hbm>>) target_semaphore(%run_scoped3A : memref<!tpu.dma_semaphore, #tpu.memory_space<semaphore_mem>>)
      %dma_wait3A = arith.constant 0 : i32
      %dma_wait3A_14 = tpu.memref_slice %arg5[%arg0, %mul3A_2, %dma_wait3A] : memref<2x10240x128xf32, #tpu.memory_space<hbm>> -> memref<1x640x128xf32, #tpu.memory_space<hbm>>
      %dma_wait3A_15 = tpu.memref_squeeze %dma_wait3A_14 : memref<1x640x128xf32, #tpu.memory_space<hbm>> -> memref<640x128xf32, #tpu.memory_space<hbm>>
      %dma_wait3A_16 = arith.constant 0 : i32
      %dma_wait3A_17 = tpu.memref_slice %arg8[%mul3A_2, %dma_wait3A_16] : memref<10240x128xf32, #tpu.memory_space<vmem_shared>> -> memref<640x128xf32, #tpu.memory_space<vmem_shared>>
      tpu.wait_dma2 semaphore(%run_scoped3A : memref<!tpu.dma_semaphore, #tpu.memory_space<semaphore_mem>>) src(%dma_wait3A_17 : memref<640x128xf32, #tpu.memory_space<vmem_shared>>) dst(%dma_wait3A_15 : memref<640x128xf32, #tpu.memory_space<hbm>>)
      tpu.yield
    }) : () -> ()
    return
  }
}

module attributes {stable_mosaic.version = 14 : i64} {
  func.func @_tc_layer(%arg0: i32, %arg1: memref<2x2000x128xf32, #tpu.memory_space<vmem>>, %arg2: memref<2x2000x128xf32, #tpu.memory_space<vmem>>, %arg3: memref<2000x128xf32, #tpu.memory_space<vmem>>, %arg4: memref<128x128xf32, #tpu.memory_space<vmem>>, %arg5: memref<128x128xf32, #tpu.memory_space<vmem>>, %arg6: memref<1x128xf32, #tpu.memory_space<vmem>>, %arg7: memref<2000x128xf32, #tpu.memory_space<vmem>>) attributes {dimension_semantics = [#tpu.dimension_semantics<arbitrary>], iteration_bounds = array<i64: 5>, scalar_prefetch = 0 : i64, scratch_operands = 0 : i64, tpu.core_type = #tpu.core_type<tc>, window_params = [{transform_indices = @transform_0, window_bounds = array<i64: 2, 2000, 128>}, {transform_indices = @transform_1, window_bounds = array<i64: 2, 2000, 128>}, {transform_indices = @transform_2, window_bounds = array<i64: 2000, 128>}, {pipeline_mode = #tpu.pipeline_mode<synchronous>, transform_indices = @transform_3, window_bounds = array<i64: 128, 128>}, {pipeline_mode = #tpu.pipeline_mode<synchronous>, transform_indices = @transform_4, window_bounds = array<i64: 128, 128>}, {pipeline_mode = #tpu.pipeline_mode<synchronous>, transform_indices = @transform_5, window_bounds = array<i64: 1, 128>}, {transform_indices = @transform_6, window_bounds = array<i64: 2000, 128>}]} {
    %get3A = arith.constant 0 : index
    %get3A_0 = arith.constant 0 : index
    %get3A_1 = arith.constant 0 : index
    %get3A_2 = vector.load %arg1[%get3A, %get3A_0, %get3A_1] : memref<2x2000x128xf32, #tpu.memory_space<vmem>>, vector<1x2000x128xf32>
    %get3A_3 = vector.shape_cast %get3A_2 : vector<1x2000x128xf32> to vector<2000x128xf32>
    %get3A_4 = arith.constant 1 : index
    %get3A_5 = arith.constant 0 : index
    %get3A_6 = arith.constant 0 : index
    %get3A_7 = vector.load %arg1[%get3A_4, %get3A_5, %get3A_6] : memref<2x2000x128xf32, #tpu.memory_space<vmem>>, vector<1x2000x128xf32>
    %get3A_8 = vector.shape_cast %get3A_7 : vector<1x2000x128xf32> to vector<2000x128xf32>
    %add3A = arith.addf %get3A_3, %get3A_8 : vector<2000x128xf32>
    %get3A_9 = arith.constant 0 : index
    %get3A_10 = arith.constant 0 : index
    %get3A_11 = arith.constant 0 : index
    %get3A_12 = vector.load %arg2[%get3A_9, %get3A_10, %get3A_11] : memref<2x2000x128xf32, #tpu.memory_space<vmem>>, vector<1x2000x1xf32>
    %get3A_13 = vector.shape_cast %get3A_12 : vector<1x2000x1xf32> to vector<2000x1xf32>
    %get3A_14 = arith.constant 1 : index
    %get3A_15 = arith.constant 0 : index
    %get3A_16 = arith.constant 0 : index
    %get3A_17 = vector.load %arg2[%get3A_14, %get3A_15, %get3A_16] : memref<2x2000x128xf32, #tpu.memory_space<vmem>>, vector<1x2000x1xf32>
    %get3A_18 = vector.shape_cast %get3A_17 : vector<1x2000x1xf32> to vector<2000x1xf32>
    %add3A_19 = arith.addf %get3A_13, %get3A_18 : vector<2000x1xf32>
    %max3A = arith.constant 1.000000e+00 : f32
    %max3A_20 = vector.broadcast %max3A : f32 to vector<2000x1xf32>
    %max3A_21 = arith.maximumf %add3A_19, %max3A_20 : vector<2000x1xf32>
    %div3A = vector.broadcast %max3A_21 : vector<2000x1xf32> to vector<2000x128xf32>
    %div3A_22 = arith.divf %add3A, %div3A : vector<2000x128xf32>
    %get3A_23 = arith.constant 0 : index
    %get3A_24 = arith.constant 0 : index
    %get3A_25 = vector.load %arg4[%get3A_23, %get3A_24] : memref<128x128xf32, #tpu.memory_space<vmem>>, vector<128x128xf32>
    %dot_general3A = arith.constant dense<0.000000e+00> : vector<2000x128xf32>
    %dot_general3A_26 = tpu.matmul %div3A_22, %get3A_25, %dot_general3A {dimension_numbers = #tpu.dot_dimension_numbers<[1], [0], [0], [1], [0, 0, 1, 1], [], []>, transpose_lhs_hint = false} : vector<2000x128xf32>, vector<128x128xf32>, vector<2000x128xf32> -> vector<2000x128xf32>
    %get3A_27 = arith.constant 0 : index
    %get3A_28 = arith.constant 0 : index
    %get3A_29 = vector.load %arg3[%get3A_27, %get3A_28] : memref<2000x128xf32, #tpu.memory_space<vmem>>, vector<2000x128xf32>
    %get3A_30 = arith.constant 0 : index
    %get3A_31 = arith.constant 0 : index
    %get3A_32 = vector.load %arg5[%get3A_30, %get3A_31] : memref<128x128xf32, #tpu.memory_space<vmem>>, vector<128x128xf32>
    %dot_general3A_33 = arith.constant dense<0.000000e+00> : vector<2000x128xf32>
    %dot_general3A_34 = tpu.matmul %get3A_29, %get3A_32, %dot_general3A_33 {dimension_numbers = #tpu.dot_dimension_numbers<[1], [0], [0], [1], [0, 0, 1, 1], [], []>, transpose_lhs_hint = false} : vector<2000x128xf32>, vector<128x128xf32>, vector<2000x128xf32> -> vector<2000x128xf32>
    %add3A_35 = arith.addf %dot_general3A_26, %dot_general3A_34 : vector<2000x128xf32>
    %get3A_36 = arith.constant 0 : index
    %get3A_37 = arith.constant 0 : index
    %get3A_38 = vector.load %arg6[%get3A_36, %get3A_37] : memref<1x128xf32, #tpu.memory_space<vmem>>, vector<1x128xf32>
    %add3A_39 = vector.broadcast %get3A_38 : vector<1x128xf32> to vector<2000x128xf32>
    %add3A_40 = arith.addf %add3A_35, %add3A_39 : vector<2000x128xf32>
    %max3A_41 = arith.constant 0.000000e+00 : f32
    %max3A_42 = vector.broadcast %max3A_41 : f32 to vector<2000x128xf32>
    %max3A_43 = arith.maximumf %add3A_40, %max3A_42 : vector<2000x128xf32>
    %swap3A = arith.constant 0 : index
    %swap3A_44 = arith.constant 0 : index
    %swap3A_45 = vector.load %arg7[%swap3A, %swap3A_44] : memref<2000x128xf32, #tpu.memory_space<vmem>>, vector<2000x128xf32>
    tpu.vector_store %arg7[%swap3A, %swap3A_44], %max3A_43 {strides = array<i32>} : memref<2000x128xf32, #tpu.memory_space<vmem>>, vector<2000x128xf32>,
    return
  }
  func.func @transform_0(%arg0: i32) -> (i32, i32, i32) {
    %c0_i32 = arith.constant 0 : i32
    %c0_i32_0 = arith.constant 0 : i32
    %c0_i32_1 = arith.constant 0 : i32
    return %c0_i32, %arg0, %c0_i32_0 : i32, i32, i32
  }
  func.func @transform_1(%arg0: i32) -> (i32, i32, i32) {
    %c0_i32 = arith.constant 0 : i32
    %c0_i32_0 = arith.constant 0 : i32
    %c0_i32_1 = arith.constant 0 : i32
    return %c0_i32, %arg0, %c0_i32_0 : i32, i32, i32
  }
  func.func @transform_2(%arg0: i32) -> (i32, i32) {
    %c0_i32 = arith.constant 0 : i32
    %c0_i32_0 = arith.constant 0 : i32
    return %arg0, %c0_i32 : i32, i32
  }
  func.func @transform_3(%arg0: i32) -> (i32, i32) {
    %c0_i32 = arith.constant 0 : i32
    %c0_i32_0 = arith.constant 0 : i32
    %c0_i32_1 = arith.constant 0 : i32
    return %c0_i32, %c0_i32_0 : i32, i32
  }
  func.func @transform_4(%arg0: i32) -> (i32, i32) {
    %c0_i32 = arith.constant 0 : i32
    %c0_i32_0 = arith.constant 0 : i32
    %c0_i32_1 = arith.constant 0 : i32
    return %c0_i32, %c0_i32_0 : i32, i32
  }
  func.func @transform_5(%arg0: i32) -> (i32, i32) {
    %c0_i32 = arith.constant 0 : i32
    %c0_i32_0 = arith.constant 0 : i32
    %c0_i32_1 = arith.constant 0 : i32
    return %c0_i32, %c0_i32_0 : i32, i32
  }
  func.func @transform_6(%arg0: i32) -> (i32, i32) {
    %c0_i32 = arith.constant 0 : i32
    %c0_i32_0 = arith.constant 0 : i32
    return %arg0, %c0_i32 : i32, i32
  }
}

module attributes {stable_mosaic.version = 14 : i64} {
  func.func @_tc_final(%arg0: i32, %arg1: memref<2x2000x128xf32, #tpu.memory_space<vmem>>, %arg2: memref<2x2000x128xf32, #tpu.memory_space<vmem>>, %arg3: memref<2000x128xf32, #tpu.memory_space<vmem>>, %arg4: memref<128x128xf32, #tpu.memory_space<vmem>>, %arg5: memref<128x128xf32, #tpu.memory_space<vmem>>, %arg6: memref<1x128xf32, #tpu.memory_space<vmem>>, %arg7: memref<1x1x2000xi32, #tpu.memory_space<vmem>>, %arg8: memref<128x128xf32, #tpu.memory_space<vmem>>, %arg9: memref<1x128xf32, #tpu.memory_space<vmem>>, %arg10: memref<128x128xf32, #tpu.memory_space<vmem>>, %arg11: memref<1x128xf32, #tpu.memory_space<vmem>>, %arg12: memref<256x128xf32, #tpu.memory_space<vmem>>, %arg13: memref<256x128xf32, #tpu.memory_space<vmem>>, %arg14: memref<256x1xf32, #tpu.memory_space<vmem>>) attributes {dimension_semantics = [#tpu.dimension_semantics<arbitrary>], iteration_bounds = array<i64: 5>, scalar_prefetch = 0 : i64, scratch_operands = 2 : i64, tpu.core_type = #tpu.core_type<tc>, window_params = [{transform_indices = @transform_0, window_bounds = array<i64: 2, 2000, 128>}, {transform_indices = @transform_1, window_bounds = array<i64: 2, 2000, 128>}, {transform_indices = @transform_2, window_bounds = array<i64: 2000, 128>}, {pipeline_mode = #tpu.pipeline_mode<synchronous>, transform_indices = @transform_3, window_bounds = array<i64: 128, 128>}, {pipeline_mode = #tpu.pipeline_mode<synchronous>, transform_indices = @transform_4, window_bounds = array<i64: 128, 128>}, {pipeline_mode = #tpu.pipeline_mode<synchronous>, transform_indices = @transform_5, window_bounds = array<i64: 1, 128>}, {transform_indices = @transform_6, window_bounds = array<i64: 1, 1, 2000>}, {pipeline_mode = #tpu.pipeline_mode<synchronous>, transform_indices = @transform_7, window_bounds = array<i64: 128, 128>}, {pipeline_mode = #tpu.pipeline_mode<synchronous>, transform_indices = @transform_8, window_bounds = array<i64: 1, 128>}, {pipeline_mode = #tpu.pipeline_mode<synchronous>, transform_indices = @transform_9, window_bounds = array<i64: 128, 128>}, {pipeline_mode = #tpu.pipeline_mode<synchronous>, transform_indices = @transform_10, window_bounds = array<i64: 1, 128>}, {pipeline_mode = #tpu.pipeline_mode<synchronous>, transform_indices = @transform_11, window_bounds = array<i64: 256, 128>}]} {
    %get3A = arith.constant 0 : index
    %get3A_0 = arith.constant 0 : index
    %get3A_1 = arith.constant 0 : index
    %get3A_2 = vector.load %arg1[%get3A, %get3A_0, %get3A_1] : memref<2x2000x128xf32, #tpu.memory_space<vmem>>, vector<1x2000x128xf32>
    %get3A_3 = vector.shape_cast %get3A_2 : vector<1x2000x128xf32> to vector<2000x128xf32>
    %get3A_4 = arith.constant 1 : index
    %get3A_5 = arith.constant 0 : index
    %get3A_6 = arith.constant 0 : index
    %get3A_7 = vector.load %arg1[%get3A_4, %get3A_5, %get3A_6] : memref<2x2000x128xf32, #tpu.memory_space<vmem>>, vector<1x2000x128xf32>
    %get3A_8 = vector.shape_cast %get3A_7 : vector<1x2000x128xf32> to vector<2000x128xf32>
    %add3A = arith.addf %get3A_3, %get3A_8 : vector<2000x128xf32>
    %get3A_9 = arith.constant 0 : index
    %get3A_10 = arith.constant 0 : index
    %get3A_11 = arith.constant 0 : index
    %get3A_12 = vector.load %arg2[%get3A_9, %get3A_10, %get3A_11] : memref<2x2000x128xf32, #tpu.memory_space<vmem>>, vector<1x2000x1xf32>
    %get3A_13 = vector.shape_cast %get3A_12 : vector<1x2000x1xf32> to vector<2000x1xf32>
    %get3A_14 = arith.constant 1 : index
    %get3A_15 = arith.constant 0 : index
    %get3A_16 = arith.constant 0 : index
    %get3A_17 = vector.load %arg2[%get3A_14, %get3A_15, %get3A_16] : memref<2x2000x128xf32, #tpu.memory_space<vmem>>, vector<1x2000x1xf32>
    %get3A_18 = vector.shape_cast %get3A_17 : vector<1x2000x1xf32> to vector<2000x1xf32>
    %add3A_19 = arith.addf %get3A_13, %get3A_18 : vector<2000x1xf32>
    %max3A = arith.constant 1.000000e+00 : f32
    %max3A_20 = vector.broadcast %max3A : f32 to vector<2000x1xf32>
    %max3A_21 = arith.maximumf %add3A_19, %max3A_20 : vector<2000x1xf32>
    %div3A = vector.broadcast %max3A_21 : vector<2000x1xf32> to vector<2000x128xf32>
    %div3A_22 = arith.divf %add3A, %div3A : vector<2000x128xf32>
    %get3A_23 = arith.constant 0 : index
    %get3A_24 = arith.constant 0 : index
    %get3A_25 = vector.load %arg4[%get3A_23, %get3A_24] : memref<128x128xf32, #tpu.memory_space<vmem>>, vector<128x128xf32>
    %dot_general3A = arith.constant dense<0.000000e+00> : vector<2000x128xf32>
    %dot_general3A_26 = tpu.matmul %div3A_22, %get3A_25, %dot_general3A {dimension_numbers = #tpu.dot_dimension_numbers<[1], [0], [0], [1], [0, 0, 1, 1], [], []>, transpose_lhs_hint = false} : vector<2000x128xf32>, vector<128x128xf32>, vector<2000x128xf32> -> vector<2000x128xf32>
    %get3A_27 = arith.constant 0 : index
    %get3A_28 = arith.constant 0 : index
    %get3A_29 = vector.load %arg3[%get3A_27, %get3A_28] : memref<2000x128xf32, #tpu.memory_space<vmem>>, vector<2000x128xf32>
    %get3A_30 = arith.constant 0 : index
    %get3A_31 = arith.constant 0 : index
    %get3A_32 = vector.load %arg5[%get3A_30, %get3A_31] : memref<128x128xf32, #tpu.memory_space<vmem>>, vector<128x128xf32>
    %dot_general3A_33 = arith.constant dense<0.000000e+00> : vector<2000x128xf32>
    %dot_general3A_34 = tpu.matmul %get3A_29, %get3A_32, %dot_general3A_33 {dimension_numbers = #tpu.dot_dimension_numbers<[1], [0], [0], [1], [0, 0, 1, 1], [], []>, transpose_lhs_hint = false} : vector<2000x128xf32>, vector<128x128xf32>, vector<2000x128xf32> -> vector<2000x128xf32>
    %add3A_35 = arith.addf %dot_general3A_26, %dot_general3A_34 : vector<2000x128xf32>
    %get3A_36 = arith.constant 0 : index
    %get3A_37 = arith.constant 0 : index
    %get3A_38 = vector.load %arg6[%get3A_36, %get3A_37] : memref<1x128xf32, #tpu.memory_space<vmem>>, vector<1x128xf32>
    %add3A_39 = vector.broadcast %get3A_38 : vector<1x128xf32> to vector<2000x128xf32>
    %add3A_40 = arith.addf %add3A_35, %add3A_39 : vector<2000x128xf32>
    %max3A_41 = arith.constant 0.000000e+00 : f32
    %max3A_42 = vector.broadcast %max3A_41 : f32 to vector<2000x128xf32>
    %max3A_43 = arith.maximumf %add3A_40, %max3A_42 : vector<2000x128xf32>
    %iota3A = tpu.iota {dimensions = array<i32: 0>} : vector<256x2000xi32>
    %get3A_44 = arith.constant 0 : index
    %get3A_45 = arith.constant 0 : index
    %get3A_46 = arith.constant 0 : index
    %get3A_47 = vector.load %arg7[%get3A_44, %get3A_45, %get3A_46] : memref<1x1x2000xi32, #tpu.memory_space<vmem>>, vector<1x1x2000xi32>
    %get3A_48 = vector.shape_cast %get3A_47 : vector<1x1x2000xi32> to vector<1x2000xi32>
    %eq3A = vector.broadcast %get3A_48 : vector<1x2000xi32> to vector<256x2000xi32>
    %eq3A_49 = arith.cmpi eq, %iota3A, %eq3A : vector<256x2000xi32>
    %convert_element_type3A = arith.extui %eq3A_49 : vector<256x2000xi1> to vector<256x2000xi32>
    %convert_element_type3A_50 = arith.sitofp %convert_element_type3A : vector<256x2000xi32> to vector<256x2000xf32>
    %eq3A_51 = arith.constant 0 : i32
    %eq3A_52 = arith.cmpi eq, %arg0, %eq3A_51 : i32
    %convert_element_type3A_53 = arith.extui %eq3A_52 : i1 to i32
    %cond3A = arith.constant 0 : i32
    %cond3A_54 = arith.cmpi ne, %convert_element_type3A_53, %cond3A : i32
    scf.if %cond3A_54 {
      %broadcast_in_dim3A_76 = arith.constant 0.000000e+00 : f32
      %broadcast_in_dim3A_77 = vector.broadcast %broadcast_in_dim3A_76 : f32 to vector<256x128xf32>
      %swap3A_78 = arith.constant 0 : index
      %swap3A_79 = arith.constant 0 : index
      %swap3A_80 = vector.load %arg13[%swap3A_78, %swap3A_79] : memref<256x128xf32, #tpu.memory_space<vmem>>, vector<256x128xf32>
      tpu.vector_store %arg13[%swap3A_78, %swap3A_79], %broadcast_in_dim3A_77 {strides = array<i32>} : memref<256x128xf32, #tpu.memory_space<vmem>>, vector<256x128xf32>,
      %broadcast_in_dim3A_81 = arith.constant 0.000000e+00 : f32
      %broadcast_in_dim3A_82 = vector.broadcast %broadcast_in_dim3A_81 : f32 to vector<256x1xf32>
      %swap3A_83 = arith.constant 0 : index
      %swap3A_84 = arith.constant 0 : index
      %swap3A_85 = vector.load %arg14[%swap3A_83, %swap3A_84] : memref<256x1xf32, #tpu.memory_space<vmem>>, vector<256x1xf32>
      tpu.vector_store %arg14[%swap3A_83, %swap3A_84], %broadcast_in_dim3A_82 {strides = array<i32>} : memref<256x1xf32, #tpu.memory_space<vmem>>, vector<256x1xf32>,
    } else {
    }
    %get3A_55 = arith.constant 0 : index
    %get3A_56 = arith.constant 0 : index
    %get3A_57 = vector.load %arg13[%get3A_55, %get3A_56] : memref<256x128xf32, #tpu.memory_space<vmem>>, vector<256x128xf32>
    %dot_general3A_58 = arith.constant dense<0.000000e+00> : vector<256x128xf32>
    %dot_general3A_59 = tpu.matmul %convert_element_type3A_50, %max3A_43, %dot_general3A_58 {dimension_numbers = #tpu.dot_dimension_numbers<[1], [0], [0], [1], [0, 0, 1, 1], [], []>, transpose_lhs_hint = false} : vector<256x2000xf32>, vector<2000x128xf32>, vector<256x128xf32> -> vector<256x128xf32>
    %add3A_60 = arith.addf %get3A_57, %dot_general3A_59 : vector<256x128xf32>
    %swap3A = arith.constant 0 : index
    %swap3A_61 = arith.constant 0 : index
    %swap3A_62 = vector.load %arg13[%swap3A, %swap3A_61] : memref<256x128xf32, #tpu.memory_space<vmem>>, vector<256x128xf32>
    tpu.vector_store %arg13[%swap3A, %swap3A_61], %add3A_60 {strides = array<i32>} : memref<256x128xf32, #tpu.memory_space<vmem>>, vector<256x128xf32>,
    %get3A_63 = arith.constant 0 : index
    %get3A_64 = arith.constant 0 : index
    %get3A_65 = vector.load %arg14[%get3A_63, %get3A_64] : memref<256x1xf32, #tpu.memory_space<vmem>>, vector<256x1xf32>
    %reduce_sum3A = arith.constant dense<0.000000e+00> : vector<256xf32>
    %reduce_sum3A_66 = vector.multi_reduction <add>, %convert_element_type3A_50, %reduce_sum3A [1] : vector<256x2000xf32> to vector<256xf32>
    %broadcast_in_dim3A = vector.shape_cast %reduce_sum3A_66 : vector<256xf32> to vector<256x1xf32>
    %add3A_67 = arith.addf %get3A_65, %broadcast_in_dim3A : vector<256x1xf32>
    %swap3A_68 = arith.constant 0 : index
    %swap3A_69 = arith.constant 0 : index
    %swap3A_70 = vector.load %arg14[%swap3A_68, %swap3A_69] : memref<256x1xf32, #tpu.memory_space<vmem>>, vector<256x1xf32>
    tpu.vector_store %arg14[%swap3A_68, %swap3A_69], %add3A_67 {strides = array<i32>} : memref<256x1xf32, #tpu.memory_space<vmem>>, vector<256x1xf32>,
    %eq3A_71 = arith.constant 4 : i32
    %eq3A_72 = arith.cmpi eq, %arg0, %eq3A_71 : i32
    %convert_element_type3A_73 = arith.extui %eq3A_72 : i1 to i32
    %cond3A_74 = arith.constant 0 : i32
    %cond3A_75 = arith.cmpi ne, %convert_element_type3A_73, %cond3A_74 : i32
    scf.if %cond3A_75 {
      %get3A_76 = arith.constant 0 : index
      %get3A_77 = arith.constant 0 : index
      %get3A_78 = vector.load %arg13[%get3A_76, %get3A_77] : memref<256x128xf32, #tpu.memory_space<vmem>>, vector<256x128xf32>
      %get3A_79 = arith.constant 0 : index
      %get3A_80 = arith.constant 0 : index
      %get3A_81 = vector.load %arg14[%get3A_79, %get3A_80] : memref<256x1xf32, #tpu.memory_space<vmem>>, vector<256x1xf32>
      %max3A_82 = arith.constant 1.000000e+00 : f32
      %max3A_83 = vector.broadcast %max3A_82 : f32 to vector<256x1xf32>
      %max3A_84 = arith.maximumf %get3A_81, %max3A_83 : vector<256x1xf32>
      %div3A_85 = vector.broadcast %max3A_84 : vector<256x1xf32> to vector<256x128xf32>
      %div3A_86 = arith.divf %get3A_78, %div3A_85 : vector<256x128xf32>
      %get3A_87 = arith.constant 0 : index
      %get3A_88 = arith.constant 0 : index
      %get3A_89 = vector.load %arg8[%get3A_87, %get3A_88] : memref<128x128xf32, #tpu.memory_space<vmem>>, vector<128x128xf32>
      %dot_general3A_90 = arith.constant dense<0.000000e+00> : vector<256x128xf32>
      %dot_general3A_91 = tpu.matmul %div3A_86, %get3A_89, %dot_general3A_90 {dimension_numbers = #tpu.dot_dimension_numbers<[1], [0], [0], [1], [0, 0, 1, 1], [], []>, transpose_lhs_hint = false} : vector<256x128xf32>, vector<128x128xf32>, vector<256x128xf32> -> vector<256x128xf32>
      %get3A_92 = arith.constant 0 : index
      %get3A_93 = arith.constant 0 : index
      %get3A_94 = vector.load %arg9[%get3A_92, %get3A_93] : memref<1x128xf32, #tpu.memory_space<vmem>>, vector<1x128xf32>
      %add3A_95 = vector.broadcast %get3A_94 : vector<1x128xf32> to vector<256x128xf32>
      %add3A_96 = arith.addf %dot_general3A_91, %add3A_95 : vector<256x128xf32>
      %max3A_97 = arith.constant 0.000000e+00 : f32
      %max3A_98 = vector.broadcast %max3A_97 : f32 to vector<256x128xf32>
      %max3A_99 = arith.maximumf %add3A_96, %max3A_98 : vector<256x128xf32>
      %get3A_100 = arith.constant 0 : index
      %get3A_101 = arith.constant 0 : index
      %get3A_102 = vector.load %arg10[%get3A_100, %get3A_101] : memref<128x128xf32, #tpu.memory_space<vmem>>, vector<128x128xf32>
      %dot_general3A_103 = arith.constant dense<0.000000e+00> : vector<256x128xf32>
      %dot_general3A_104 = tpu.matmul %max3A_99, %get3A_102, %dot_general3A_103 {dimension_numbers = #tpu.dot_dimension_numbers<[1], [0], [0], [1], [0, 0, 1, 1], [], []>, transpose_lhs_hint = false} : vector<256x128xf32>, vector<128x128xf32>, vector<256x128xf32> -> vector<256x128xf32>
      %get3A_105 = arith.constant 0 : index
      %get3A_106 = arith.constant 0 : index
      %get3A_107 = vector.load %arg11[%get3A_105, %get3A_106] : memref<1x128xf32, #tpu.memory_space<vmem>>, vector<1x128xf32>
      %add3A_108 = vector.broadcast %get3A_107 : vector<1x128xf32> to vector<256x128xf32>
      %add3A_109 = arith.addf %dot_general3A_104, %add3A_108 : vector<256x128xf32>
      %swap3A_110 = arith.constant 0 : index
      %swap3A_111 = arith.constant 0 : index
      %swap3A_112 = vector.load %arg12[%swap3A_110, %swap3A_111] : memref<256x128xf32, #tpu.memory_space<vmem>>, vector<256x128xf32>
      tpu.vector_store %arg12[%swap3A_110, %swap3A_111], %add3A_109 {strides = array<i32>} : memref<256x128xf32, #tpu.memory_space<vmem>>, vector<256x128xf32>,
    } else {
    }
    return
  }
  func.func @transform_0(%arg0: i32) -> (i32, i32, i32) {
    %c0_i32 = arith.constant 0 : i32
    %c0_i32_0 = arith.constant 0 : i32
    %c0_i32_1 = arith.constant 0 : i32
    return %c0_i32, %arg0, %c0_i32_0 : i32, i32, i32
  }
  func.func @transform_1(%arg0: i32) -> (i32, i32, i32) {
    %c0_i32 = arith.constant 0 : i32
    %c0_i32_0 = arith.constant 0 : i32
    %c0_i32_1 = arith.constant 0 : i32
    return %c0_i32, %arg0, %c0_i32_0 : i32, i32, i32
  }
  func.func @transform_2(%arg0: i32) -> (i32, i32) {
    %c0_i32 = arith.constant 0 : i32
    %c0_i32_0 = arith.constant 0 : i32
    return %arg0, %c0_i32 : i32, i32
  }
  func.func @transform_3(%arg0: i32) -> (i32, i32) {
    %c0_i32 = arith.constant 0 : i32
    %c0_i32_0 = arith.constant 0 : i32
    %c0_i32_1 = arith.constant 0 : i32
    return %c0_i32, %c0_i32_0 : i32, i32
  }
  func.func @transform_4(%arg0: i32) -> (i32, i32) {
    %c0_i32 = arith.constant 0 : i32
    %c0_i32_0 = arith.constant 0 : i32
    %c0_i32_1 = arith.constant 0 : i32
    return %c0_i32, %c0_i32_0 : i32, i32
  }
  func.func @transform_5(%arg0: i32) -> (i32, i32) {
    %c0_i32 = arith.constant 0 : i32
    %c0_i32_0 = arith.constant 0 : i32
    %c0_i32_1 = arith.constant 0 : i32
    return %c0_i32, %c0_i32_0 : i32, i32
  }
  func.func @transform_6(%arg0: i32) -> (i32, i32, i32) {
    %c0_i32 = arith.constant 0 : i32
    %c0_i32_0 = arith.constant 0 : i32
    %c0_i32_1 = arith.constant 0 : i32
    return %arg0, %c0_i32, %c0_i32_0 : i32, i32, i32
  }
  func.func @transform_7(%arg0: i32) -> (i32, i32) {
    %c0_i32 = arith.constant 0 : i32
    %c0_i32_0 = arith.constant 0 : i32
    %c0_i32_1 = arith.constant 0 : i32
    return %c0_i32, %c0_i32_0 : i32, i32
  }
  func.func @transform_8(%arg0: i32) -> (i32, i32) {
    %c0_i32 = arith.constant 0 : i32
    %c0_i32_0 = arith.constant 0 : i32
    %c0_i32_1 = arith.constant 0 : i32
    return %c0_i32, %c0_i32_0 : i32, i32
  }
  func.func @transform_9(%arg0: i32) -> (i32, i32) {
    %c0_i32 = arith.constant 0 : i32
    %c0_i32_0 = arith.constant 0 : i32
    %c0_i32_1 = arith.constant 0 : i32
    return %c0_i32, %c0_i32_0 : i32, i32
  }
  func.func @transform_10(%arg0: i32) -> (i32, i32) {
    %c0_i32 = arith.constant 0 : i32
    %c0_i32_0 = arith.constant 0 : i32
    %c0_i32_1 = arith.constant 0 : i32
    return %c0_i32, %c0_i32_0 : i32, i32
  }
  func.func @transform_11(%arg0: i32) -> (i32, i32) {
    %c0_i32 = arith.constant 0 : i32
    %c0_i32_0 = arith.constant 0 : i32
    %c0_i32_1 = arith.constant 0 : i32
    return %c0_i32, %c0_i32_0 : i32, i32
  }
}

</mosaic_0001>

<sc_bundles>
// kernel: sc_seg_agg.4.cloned.1.call-start
scs
__scs_entry_jumppad:
0x0: {  	(pc) =	sbr.rel $0x88, $3  }
0x1: {  	(tag) =	ssettag $0x0;
	lr =	simm.s32 $0x1  }
0x2: {  	[smem:$0x3F94] =	sst lr;
	_ =	strace $0xD0000000  }
0x3: {  	_ = 	snop  }
0x4: {  	_ = 	snop  }
0x5: {  	_ = 	snop  }
0x6: {  	_ = 	snop  }
0x7: {  	_ = 	snop  }
__scs_overlays_trampoline_lowered:
0x8: {  	[smem:$0x3FA3] =	sst s0  }
0x9: {  	[smem:$0x3FA4] =	sst s1  }
0xa: {  	[smem:$0x3FA5] =	sst s2  }
0xb: {  	[smem:$0x3FA6] =	sst s3  }
0xc: {  	[smem:$0x3FA7] =	sst s4  }
0xd: {  	[smem:$0x3FA8] =	sst s5  }
0xe: {  	[smem:$0x3FA9] =	sst s6  }
0xf: {  	[smem:$0x3FAA] =	sst s7  }
0x10: {  	[smem:$0x3FAB] =	sst s8  }
0x11: {  	[smem:$0x3FAC] =	sst s9;
	s0 =	simm.s32 @!p0 $0x0  }
0x12: {  	s1 =	sld [smem:$0x3F92];
	s0 =	simm.s32 @p0 $0x1  }
0x13: {  	[smem:$0x3FAD] =	sst s0;
	s0 =	simm.s32 @!p1 $0x0  }
0x14: {  	s2 =	sld [smem:$0x3F91];
	s0 =	simm.s32 @p1 $0x1  }
0x15: {  	[smem:$0x3FAE] =	sst s0;
	s0 =	simm.s32 @!p2 $0x0  }
0x16: {  	s3 =	sld [smem:$0x3FDB];
	s0 =	simm.s32 @p2 $0x1  }
0x17: {  	s4 =	simm.s32 $0x1BF5;
	[smem:$0x3FB0] =	sst s0  }
0x18: {  	s0 =	sld [smem:$0x3F93];
	_ =	swait.ge [sflag:s4], $0x0  }
0x19: {  	s7 =	sld [smem:$0x3F94]  }
0x1a: {  	s8 =	sadd.s32 $0xFFFFE003, lr  }
0x1b: {  	s9 =	sadd.s32 $0xFFFFFEF7, lr;
	s5 =	simm.s32 $0xFFFFFFFF;
	p2 =	slt.u32 s8, $0xFFFFF086  }
0x1c: {  	p1 =	slt.u32 s9, $0xF7A;
	s5 =	simm.s32 @!p2 $0x0  }
0x1d: {  	s5 =	simm.s32 @p1 $0x1;
	p0 =	seq.s32 s7, s2  }
0x1e: {  	s7 =	smul.u32 @!p0 $0xF7A, s2;
	p2 =	seq.s32 @!p0 s5, $0x0  }
0x1f: {  	s9 =	smul.u32 $0xF7A, s1;
	s8 =	simm.s32 @!p0 $0x1BF5;
	p2 =	por !p2, p0  }
0x20: {  	[sflag:s8] =	ssyncset.s32 @!p0 $0xFFFFF086;
	s6 =	sadd.s32 @!p0 s3, s7;
	s7 =	simm.s32 @!p0 $0x108  }
0x21: {  	s3 =	sadd.s32 s3, s9;
	s6 =	sadd.s32 @!p0 $0x88, s6;
	s7 =	simm.s32 @p2 $0x1082  }
0x22: {  	[simem:s7], [sflag:s8] =	dma.local @!p0 [hbm:s6], $0xF7A  }
0x23: {  	s9 =	sor.u32 $0xD0000000, s2;
	s6 =	simm.s32 $0x108;
	_ =	swait.ge @!p0 [sflag:s8], $0x0  }
0x24: {  	s3 =	sadd.s32 $0x88, s3;
	s6 =	simm.s32 @!p1 $0x1082;
	[sflag:s4] =	ssyncset.s32 $0xFFFFF086  }
0x25: {  	[simem:s6], [sflag:s4] =	dma.local [hbm:s3], $0xF7A  }
0x26: {  	[smem:$0x3F94] =	sst s1;
	(tag) =	ssettag s2;
	_ =	strace s9  }
0x27: {  	s1 =	sld [smem:$0x3FA4]  }
0x28: {  	s2 =	sld [smem:$0x3FA5]  }
0x29: {  	s4 =	sld [smem:$0x3FA7]  }
0x2a: {  	p0 =	seq.s32 s5, $0x0;
	s5 =	sld [smem:$0x3FA8]  }
0x2b: {  	s6 =	sld [smem:$0x3FA9]  }
0x2c: {  	s7 =	sld [smem:$0x3FAA]  }
0x2d: {  	s3 =	simm.s32 $0x108;
	s8 =	sld [smem:$0x3FAB]  }
0x2e: {  	s3 =	simm.s32 @!p0 $0x1082;
	s9 =	sld [smem:$0x3FAC]  }
0x2f: {  	lr =	sadd.s32 s0, s3;
	s0 =	sld [smem:$0x3FA3]  }
0x30: {  	s3 =	sld [smem:$0x3FA6]  }
0x31: {  	[smem:$0x3FAF] =	sst s10  }
0x32: {  	s10 =	sld [smem:$0x3FAD];
	_ =	sdelay $0x3  }
0x33: {  	p0 =	seq.s32 s10, $0x1;
	s10 =	sld [smem:$0x3FAF];
	_ =	sdelay $0x3  }
0x34: {  	[smem:$0x3FAF] =	sst s10  }
0x35: {  	s10 =	sld [smem:$0x3FAE];
	_ =	sdelay $0x3  }
0x36: {  	p1 =	seq.s32 s10, $0x1;
	s10 =	sld [smem:$0x3FAF];
	_ =	sdelay $0x3  }
0x37: {  	[smem:$0x3FAF] =	sst s10  }
0x38: {  	s10 =	sld [smem:$0x3FB0]  }
0x39: {  	_ = 	snop;
	(pc) =	sbr.ind lr, $3  }
0x3a: {  	_ = 	snop  }
0x3b: {  	_ = 	snop  }
0x3c: {  	p2 =	seq.s32 s10, $0x1;
	s10 =	sld [smem:$0x3FAF]  }
0x3d: {  	_ =	shalt  }
0x3e: {  	_ =	shalt  }
0x3f: {  	_ =	shalt  }
0x40: {  	_ =	shalt  }
0x41: {  	_ =	shalt  }
0x42: {  	_ =	shalt  }
0x43: {  	_ =	shalt  }
0x44: {  	_ =	shalt  }
0x45: {  	_ =	shalt  }
0x46: {  	_ =	shalt  }
0x47: {  	_ =	shalt  }
0x48: {  	_ =	shalt  }
0x49: {  	_ =	shalt  }
0x4a: {  	_ =	shalt  }
0x4b: {  	_ =	shalt  }
0x4c: {  	_ =	shalt  }
0x4d: {  	_ =	shalt  }
0x4e: {  	_ =	shalt  }
0x4f: {  	_ =	shalt  }
0x50: {  	_ =	shalt  }
0x51: {  	_ =	shalt  }
0x52: {  	_ =	shalt  }
0x53: {  	_ =	shalt  }
0x54: {  	_ =	shalt  }
0x55: {  	_ =	shalt  }
0x56: {  	_ =	shalt  }
0x57: {  	_ =	shalt  }
0x58: {  	_ =	shalt  }
0x59: {  	_ =	shalt  }
0x5a: {  	_ =	shalt  }
0x5b: {  	_ =	shalt  }
0x5c: {  	_ =	shalt  }
0x5d: {  	_ =	shalt  }
0x5e: {  	_ =	shalt  }
0x5f: {  	_ =	shalt  }
0x60: {  	_ =	shalt  }
0x61: {  	_ =	shalt  }
0x62: {  	_ =	shalt  }
0x63: {  	_ =	shalt  }
0x64: {  	_ =	shalt  }
0x65: {  	_ =	shalt  }
0x66: {  	_ =	shalt  }
0x67: {  	_ =	shalt  }
0x68: {  	_ =	shalt  }
0x69: {  	_ =	shalt  }
0x6a: {  	_ =	shalt  }
0x6b: {  	_ =	shalt  }
0x6c: {  	_ =	shalt  }
0x6d: {  	_ =	shalt  }
0x6e: {  	_ =	shalt  }
0x6f: {  	_ =	shalt  }
0x70: {  	_ =	shalt  }
0x71: {  	_ =	shalt  }
0x72: {  	_ =	shalt  }
0x73: {  	_ =	shalt  }
0x74: {  	_ =	shalt  }
0x75: {  	_ =	shalt  }
0x76: {  	_ =	shalt  }
0x77: {  	_ =	shalt  }
0x78: {  	_ =	shalt  }
0x79: {  	_ =	shalt  }
0x7a: {  	_ =	shalt  }
0x7b: {  	_ =	shalt  }
0x7c: {  	_ =	shalt  }
0x7d: {  	_ =	shalt  }
0x7e: {  	_ =	shalt  }
0x7f: {  	_ =	shalt  }
0x80: {  	_ =	shalt  }
0x81: {  	_ =	shalt  }
0x82: {  	_ =	shalt  }
0x83: {  	_ =	shalt  }
0x84: {  	_ =	shalt  }
0x85: {  	_ =	shalt  }
0x86: {  	_ =	shalt  }
0x87: {  	_ =	shalt  }
.Lfunc_end0:
.L_simem_size_0:
called_computation.1_lowered:
.L_overlay_start_0:
0x88: {  	s2 =	sld [smem:$0x3FD9]  }
0x89: {  	s3 =	sld [smem:$0x3FFE];
	_ =	sdelay $0x1  }
0x8a: {  	s1 =	srdreg.scid  }
0x8b: {  	s0 =	sand.u32 $0x1, s1  }
0x8c: {  	s17 =	sshll.u32 s0, $0xA;
	s2 =	sadd.s32 s3, s2  }
0x8d: {  	s2 =	sadd.s32 s2, s17  }
0x8e: {  	[smem:$0x3FBB] =	sst s2  }
0x8f: {  	_ = 	snop  }
0x90: {  	s2 =	sld [smem:$0x3FC9];
	(tm) =	ssettm $0x1  }
0x91: {  	s18 =	sld [smem:$0x3FFB];
	_ =	sdelay $0x3  }
0x92: {  	_ =	strace s18  }
0x93: {  	s3 =	sld [smem:$0x3FFC];
	_ =	sdelay $0x3  }
0x94: {  	_ =	strace s3  }
0x95: {  	s3 =	sld [smem:$0x3FFD];
	_ =	sdelay $0x3  }
0x96: {  	_ =	strace s3  }
0x97: {  	_ =	strace $0x8FFFFFFF  }
0x98: {  	s19 =	sld [smem:$0x3FDB];
	_ =	sdelay $0x1  }
0x99: {  	s4 =	simm.s32 $_scs_section_size  }
0x9a: {  	s5 =	simm.s32 $_size__tile_overlayer_lowered;
	s6 =	simm.s32 $_tile_overlayer_lowered  }
0x9b: {  	s22 =	simm.s32 $0x1BFF;
	s21 =	sshll.u32 s6, $0x1;
	s3 =	sadd.s32 s4, s19  }
0x9c: {  	s7 =	simm.s32 $0x0;
	s20 =	sshll.u32 s5, $0x1;
	s5 =	sadd.s32 s21, s3  }
0x9d: {  	[timem:s7], [sflag:s22] =	dma.local [hbm:s5], s20  }
0x9e: {  	_ =	swait.ge [sflag:s22], s20  }
0x9f: {  	s4 =	ssub.s32 $0x0, s20;
	[sflag:s22] =	ssyncset.done $0x0  }
0xa0: {  	[sflag:s22] =	ssyncadd.s32 s4;
	_ =	sdelay $0x1  }
0xa1: {  	s23 =	simm.s32 $0x1B8B  }
0xa2: {  	_ =	swait.ge [sflag:s23], $0x1  }
0xa3: {  	[sflag:s23] =	ssyncset.done $0x0  }
0xa4: {  	s25 =	simm.s32 $0x1B8E;
	s24 =	sld [smem:$0x3FFE];
	[sflag:s23] =	ssyncadd.s32 $0xFFFFFFFF  }
0xa5: {  	s26 =	simm.s32 $execute0_lowered;
	[smem:$0x3FD2] =	sst s25  }
0xa6: {  	s5 =	sshll.u32 s26, $0x1;
	_ =	strace $0x80000046;
	[dreg:$0x1] =	wrdreg $0xFFFFFFFF  }
0xa7: {  	s28 =	simm.s32 $_size_execute0_lowered;
	s3 =	sadd.s32 s3, s5;
	[dreg:$0x0] =	wrdreg $0x0  }
0xa8: {  	s5 =	sshll.u32 s28, $0x1;
	[dreg:$0x2] =	wrdreg s3  }
0xa9: {  	[dreg:$0x3] =	wrdreg s5  }
0xaa: {  	[dreg:$0x4] =	wrdreg $0xC0  }
0xab: {  	_ =	task [dreg:s7], $0x5FFFF  }
0xac: {  	[dreg:$0x1] =	wrdreg $0xFFFFFFFF  }
0xad: {  	[dreg:$0x0] =	wrdreg $0x60  }
0xae: {  	[dreg:$0x2] =	wrdreg s2  }
0xaf: {  	[dreg:$0x3] =	wrdreg s24  }
0xb0: {  	[dreg:$0x4] =	wrdreg $0x94000  }
0xb1: {  	[dreg:$0x5] =	wrdreg $0xA  }
0xb2: {  	_ =	task.clear_ibuf [dreg:s7], $0x6FFFF;
	_ =	strace $0x90000046  }
0xb3: {  	s29 =	simm.s32 $0xA;
	_ =	strace $0x80000048  }
0xb4: {  	_ =	swait.ge [sflag:s29], $0x1  }
0xb5: {  	[sflag:s29] =	ssyncadd.s32 $0xFFFFFFFF  }
0xb6: {  	_ =	strace $0x90000048  }
0xb7: {  	_ =	sfence  }
0xb8: {  	s30 =	sld [smem:$0x0];
	_ =	sdelay $0x2  }
0xb9: {  	s31 =	sshll.u32 s1, $0xD;
	s1 =	sshrl.u32 s1, $0x2  }
0xba: {  	s3 =	sand.u32 $0x4000, s31;
	s1 =	sadd.s32 s1, s30  }
0xbb: {  	s0 =	sor.u32 s3, s0;
	s1 =	sshll.u32 s1, $0x11  }
0xbc: {  	s0 =	sor.u32 s1, s0  }
0xbd: {  	s0 =	sadd.s32 $0x8F2B, s0  }
0xbe: {  	[sflag:s0] =	ssyncadd.remote.s32 $0x1  }
0xbf: {  	_ =	sfence.sel $0xFFFF  }
0xc0: {  	[dreg:$0x0] =	wrdreg $0xFFFFFFFF;
	(pc) =	sbr.abs _section_cstart, $3  }
0xc1: {  	[dreg:$0x1] =	wrdreg $0xFFFFFFFF  }
0xc2: {  	_ =	task.clear_ibuf [dreg:s7], $0x2FFFF;
	_ =	strace $0x9FFFFFFF  }
0xc3: {  	(tm) =	ssettm $0x7FFFFFFF  }
tec
execute0_lowered:
.L_overlay_start_1:
0x0: {  	(tag) =	ssettag $0x1  }
0x1: {  	s1 =	rddreg [dreg:$0x0]  }
0x2: {  	s0 =	rddreg [dreg:$0x1]  }
0x3: {  	s3 =	rddreg [dreg:$0x2]  }
0x4: {  	s4 =	simm.s32 $0x0;
	s2 =	srdreg.scid;
	s13 =	stileid.u32  }
0x5: {  	s14 =	simm.s32 $0x800;
	s15 =	simm.s32 $0xC00;
	s16 =	simm.s32 $0x80  }
0x6: {  	s17 =	simm.s32 $0x1400;
	s18 =	simm.s32 $0x5400;
	s19 =	simm.s32 $0x1  }
0x7: {  	s28 =	simm.s32 $0x1100;
	s29 =	simm.s32 $0x1180;
	s30 =	simm.s32 $0x600  }
0x8: {  	s31 =	simm.s32 $0x680;
	s2 =	sand.u32 $0x1, s2;
	s5 =	smul.u32 $0x90, s13  }
0x9: {  	s6 =	sshll.u32 s13, $0x4;
	[smem:$0x7FF] =	sst s4;
	s7 =	smul.u32 $0x14000, s13  }
0xa: {  	s11 =	smul.u32 $0x50000, s13;
	s23 =	sshll.u32 s13, $0x6;
	s13 =	simm.s32 $0x5  }
0xb: {  	p0 =	seq.s32 s2, $0x0;
	s6 =	sor.u32 $0x900, s6;
	_ =	strace $0x80000047  }
0xc: {  	s8 =	smul.u32 $0x140000, s2;
	s20 =	ssub.s32 $0x2, s2;
	s6 =	smov.u32 @p0 s5  }
0xd: {  	s5 =	sadd.s32 $0xCC00, s0;
	s10 =	sshrl.u32 s7, $0x3;
	s12 =	sshrl.u32 s20, $0x1  }
0xe: {  	s22 =	sshrl.u32 s11, $0x2;
	p0 =	sne.s32 s2, $0x0;
	s2 =	simm.s32 $0x1280  }
0xf: {  	s6 =	sshll.u32 s6, $0x4;
	s7 =	sadd.s32 s7, s8;
	s10 =	sadd.s32 s10, s0  }
0x10: {  	s21 =	ssub.s32 s20, s12;
	s8 =	sadd.s32 s22, s3;
	s20 =	simm.s32 $0x2  }
0x11: {  	s22 =	simm.s32 $0x3;
	s12 =	simm.s32 $0x1380;
	s9 =	sadd.s32 s6, s0  }
0x12: {  	s7 =	sshrl.u32 s7, $0x3;
	s10 =	sadd.s32 $0x16C00, s10;
	s24 =	smax.u32 s21, $0x1  }
0x13: {  	s26 =	sadd.s32 s6, s5;
	s11 =	sshrl.u32 s8, $0x3;
	[dreg:$0x4] =	wrdreg s10  }
0x14: {  	s6 =	simm.s32 $0x700;
	s8 =	simm.s32 $0x780;
	[dreg:$0x7] =	wrdreg s24  }
0x15: {  	s21 =	simm.s32 $0x880;
	s0 =	sadd.s32 s7, s0;
	[dreg:$0x9] =	wrdreg s26  }
0x16: {  	s10 =	sor.u32 $0x1C05, s23;
	s25 =	sadd.s32 $0x2C00, s9;
	[dreg:$0xa] =	wrdreg s11  }
0x17: {  	s24 =	simm.s32 $0x4;
	s26 =	simm.s32 $0x580;
	[dreg:$0x8] =	wrdreg s25  }
0x18: {  	s9 =	simm.s32 $0x1300;
	s0 =	sadd.s32 $0x3EC00, s0;
	[dreg:$0x5] =	wrdreg s10  }
0x19: {  	s25 =	simm.s32 $0x500;
	[dreg:$0x6] =	wrdreg s0;
	s0 =	simm.s32 $0x0  }
.LBB2_1:
0x1a: {  	[dreg:$0xb] =	wrdreg s0  }
0x1b: {  	s7 =	rddreg [dreg:$0x4]  }
0x1c: {  	[spmem:s11], [sflag:s10] =	dma.local [hbm:s7], $0x2800  }
0x1d: {  	_ =	swait.ge [sflag:s13], $0x2800  }
0x1e: {  	[sflag:s13] =	ssyncset.done $0x0  }
0x1f: {  	[sflag:s13] =	ssyncadd.s32 $0xFFFFD800  }
0x20: {  	[bflag:$0x0] =	sbarrier.arrive $0xFFFF  }
0x21: {  	s10 =	rddreg [dreg:$0x9]  }
0x22: {  	s0 =	simm.s32 $0x1200;
	s7 =	simm.s32 $0x0;
	s11 =	rddreg [dreg:$0x8]  }
.LBB2_2:
0x23: {  	[tilespmem:s4], [sflag:$0x5] =	stream.linear.gather [hbm4b:s10+s4], $0x800, $0x38;
	[tilespmem:$0x1D400] =	vst v63  }
0x24: {  	_ =	swait.ge [sflag:s13], $0x800  }
0x25: {  	[sflag:s13] =	ssyncset.done $0x0  }
0x26: {  	[sflag:s13] =	ssyncadd.s32 $0xFFFFF800  }
0x27: {  	[tilespmem:s14], [sflag:$0x5] =	stream.linear.gather [hbm4b:s5+s4], $0x100, $0x38;
	[tilespmem:$0x1D400] =	vst v63  }
0x28: {  	_ =	swait.ge [sflag:s13], $0x100  }
0x29: {  	[sflag:s13] =	ssyncset.done $0x0  }
0x2a: {  	[sflag:s13] =	ssyncadd.s32 $0xFFFFFF00  }
0x2b: {  	[tilespmem:s15], [sflag:$0x5] =	stream.linear.gather [hbm4b:s11+s4], $0x800, $0x38;
	[tilespmem:$0x1D400] =	vst v63  }
0x2c: {  	_ =	swait.ge [sflag:s13], $0x800  }
0x2d: {  	[sflag:s13] =	ssyncset.done $0x0  }
0x2e: {  	[sflag:s13] =	ssyncadd.s32 $0xFFFFF800  }
0x2f: {  	[tilespmem:s17], [sflag:$0x1] =	stream.indirect.gather [hbm4b:s1+s16], $0x80, s4, s16, $0xb8;
	[tilespmem:$0x1D400] =	vst v63  }
0x30: {  	_ = 	snop  }
0x31: {  	[tilespmem:s18], [sflag:$0x2] =	stream.indirect.gather [hbm4b:s1+s16], $0x80, s16, s16, $0xb8;
	[tilespmem:$0x1D400] =	vst v63  }
0x32: {  	_ =	swait.ge [sflag:s19], $0x4000  }
0x33: {  	[sflag:s19] =	ssyncset.done $0x0  }
0x34: {  	[sflag:s19] =	ssyncadd.s32 $0xFFFFC000  }
0x35: {  	[spmem:s3] =	stream.indirect.scatter.add.f32 [tilespmem:s17], [sflag:$0x3], $0x80, s15, s16, $0xb8;
	[tilespmem:$0x1D400] =	vst v63  }
0x36: {  	_ =	swait.ge [sflag:s20], $0x4000  }
0x37: {  	[sflag:s20] =	ssyncset.done $0x0  }
0x38: {  	s23 =	simm.s32 $0xC80;
	[sflag:s20] =	ssyncadd.s32 $0xFFFFC000  }
0x39: {  	[spmem:s3] =	stream.indirect.scatter.add.f32 [tilespmem:s18], [sflag:$0x4], $0x80, s23, s16, $0xb8;
	[tilespmem:$0x1D400] =	vst v63  }
0x3a: {  	_ =	swait.ge [sflag:s22], $0x4000  }
0x3b: {  	[sflag:s22] =	ssyncset.done $0x0  }
0x3c: {  	s23 =	simm.s32 $0x100;
	[sflag:s22] =	ssyncadd.s32 $0xFFFFC000  }
0x3d: {  	[tilespmem:s17], [sflag:$0x1] =	stream.indirect.gather [hbm4b:s1+s16], $0x80, s23, s16, $0xb8;
	[tilespmem:$0x1D400] =	vst v63  }
0x3e: {  	_ =	swait.ge [sflag:s24], $0x4000  }
0x3f: {  	[sflag:s24] =	ssyncset.done $0x0  }
0x40: {  	s23 =	simm.s32 $0x180;
	[sflag:s24] =	ssyncadd.s32 $0xFFFFC000  }
0x41: {  	[tilespmem:s18], [sflag:$0x2] =	stream.indirect.gather [hbm4b:s1+s16], $0x80, s23, s16, $0xb8;
	[tilespmem:$0x1D400] =	vst v63  }
0x42: {  	_ =	swait.ge [sflag:s19], $0x4000  }
0x43: {  	[sflag:s19] =	ssyncset.done $0x0  }
0x44: {  	s23 =	simm.s32 $0xD00;
	[sflag:s19] =	ssyncadd.s32 $0xFFFFC000  }
0x45: {  	[spmem:s3] =	stream.indirect.scatter.add.f32 [tilespmem:s17], [sflag:$0x3], $0x80, s23, s16, $0xb8;
	[tilespmem:$0x1D400] =	vst v63  }
0x46: {  	_ =	swait.ge [sflag:s20], $0x4000  }
0x47: {  	[sflag:s20] =	ssyncset.done $0x0  }
0x48: {  	s23 =	simm.s32 $0xD80;
	[sflag:s20] =	ssyncadd.s32 $0xFFFFC000  }
0x49: {  	[spmem:s3] =	stream.indirect.scatter.add.f32 [tilespmem:s18], [sflag:$0x4], $0x80, s23, s16, $0xb8;
	[tilespmem:$0x1D400] =	vst v63  }
0x4a: {  	_ =	swait.ge [sflag:s22], $0x4000  }
0x4b: {  	[sflag:s22] =	ssyncset.done $0x0  }
0x4c: {  	s23 =	simm.s32 $0x200;
	[sflag:s22] =	ssyncadd.s32 $0xFFFFC000  }
0x4d: {  	[tilespmem:s17], [sflag:$0x1] =	stream.indirect.gather [hbm4b:s1+s16], $0x80, s23, s16, $0xb8;
	[tilespmem:$0x1D400] =	vst v63  }
0x4e: {  	_ =	swait.ge [sflag:s24], $0x4000  }
0x4f: {  	[sflag:s24] =	ssyncset.done $0x0  }
0x50: {  	s23 =	simm.s32 $0x280;
	[sflag:s24] =	ssyncadd.s32 $0xFFFFC000  }
0x51: {  	[tilespmem:s18], [sflag:$0x2] =	stream.indirect.gather [hbm4b:s1+s16], $0x80, s23, s16, $0xb8;
	[tilespmem:$0x1D400] =	vst v63  }
0x52: {  	_ =	swait.ge [sflag:s19], $0x4000  }
0x53: {  	[sflag:s19] =	ssyncset.done $0x0  }
0x54: {  	s23 =	simm.s32 $0xE00;
	[sflag:s19] =	ssyncadd.s32 $0xFFFFC000  }
0x55: {  	[spmem:s3] =	stream.indirect.scatter.add.f32 [tilespmem:s17], [sflag:$0x3], $0x80, s23, s16, $0xb8;
	[tilespmem:$0x1D400] =	vst v63  }
0x56: {  	_ =	swait.ge [sflag:s20], $0x4000  }
0x57: {  	[sflag:s20] =	ssyncset.done $0x0  }
0x58: {  	s23 =	simm.s32 $0xE80;
	[sflag:s20] =	ssyncadd.s32 $0xFFFFC000  }
0x59: {  	[spmem:s3] =	stream.indirect.scatter.add.f32 [tilespmem:s18], [sflag:$0x4], $0x80, s23, s16, $0xb8;
	[tilespmem:$0x1D400] =	vst v63  }
0x5a: {  	_ =	swait.ge [sflag:s22], $0x4000  }
0x5b: {  	[sflag:s22] =	ssyncset.done $0x0  }
0x5c: {  	s23 =	simm.s32 $0x300;
	[sflag:s22] =	ssyncadd.s32 $0xFFFFC000  }
0x5d: {  	[tilespmem:s17], [sflag:$0x1] =	stream.indirect.gather [hbm4b:s1+s16], $0x80, s23, s16, $0xb8;
	[tilespmem:$0x1D400] =	vst v63  }
0x5e: {  	_ =	swait.ge [sflag:s24], $0x4000  }
0x5f: {  	[sflag:s24] =	ssyncset.done $0x0  }
0x60: {  	s23 =	simm.s32 $0x380;
	[sflag:s24] =	ssyncadd.s32 $0xFFFFC000  }
0x61: {  	[tilespmem:s18], [sflag:$0x2] =	stream.indirect.gather [hbm4b:s1+s16], $0x80, s23, s16, $0xb8;
	[tilespmem:$0x1D400] =	vst v63  }
0x62: {  	_ =	swait.ge [sflag:s19], $0x4000  }
0x63: {  	[sflag:s19] =	ssyncset.done $0x0  }
0x64: {  	s23 =	simm.s32 $0xF00;
	[sflag:s19] =	ssyncadd.s32 $0xFFFFC000  }
0x65: {  	[spmem:s3] =	stream.indirect.scatter.add.f32 [tilespmem:s17], [sflag:$0x3], $0x80, s23, s16, $0xb8;
	[tilespmem:$0x1D400] =	vst v63  }
0x66: {  	_ =	swait.ge [sflag:s20], $0x4000  }
0x67: {  	[sflag:s20] =	ssyncset.done $0x0  }
0x68: {  	s23 =	simm.s32 $0xF80;
	[sflag:s20] =	ssyncadd.s32 $0xFFFFC000  }
0x69: {  	[spmem:s3] =	stream.indirect.scatter.add.f32 [tilespmem:s18], [sflag:$0x4], $0x80, s23, s16, $0xb8;
	[tilespmem:$0x1D400] =	vst v63  }
0x6a: {  	_ =	swait.ge [sflag:s22], $0x4000  }
0x6b: {  	[sflag:s22] =	ssyncset.done $0x0  }
0x6c: {  	s23 =	simm.s32 $0x400;
	[sflag:s22] =	ssyncadd.s32 $0xFFFFC000  }
0x6d: {  	[tilespmem:s17], [sflag:$0x1] =	stream.indirect.gather [hbm4b:s1+s16], $0x80, s23, s16, $0xb8;
	[tilespmem:$0x1D400] =	vst v63  }
0x6e: {  	_ =	swait.ge [sflag:s24], $0x4000  }
0x6f: {  	[sflag:s24] =	ssyncset.done $0x0  }
0x70: {  	s23 =	simm.s32 $0x480;
	[sflag:s24] =	ssyncadd.s32 $0xFFFFC000  }
0x71: {  	[tilespmem:s18], [sflag:$0x2] =	stream.indirect.gather [hbm4b:s1+s16], $0x80, s23, s16, $0xb8;
	[tilespmem:$0x1D400] =	vst v63  }
0x72: {  	_ =	swait.ge [sflag:s19], $0x4000  }
0x73: {  	[sflag:s19] =	ssyncset.done $0x0  }
0x74: {  	s23 =	simm.s32 $0x1000;
	[sflag:s19] =	ssyncadd.s32 $0xFFFFC000  }
0x75: {  	[spmem:s3] =	stream.indirect.scatter.add.f32 [tilespmem:s17], [sflag:$0x3], $0x80, s23, s16, $0xb8;
	[tilespmem:$0x1D400] =	vst v63  }
0x76: {  	_ =	swait.ge [sflag:s20], $0x4000  }
0x77: {  	[sflag:s20] =	ssyncset.done $0x0  }
0x78: {  	s23 =	simm.s32 $0x1080;
	[sflag:s20] =	ssyncadd.s32 $0xFFFFC000  }
0x79: {  	[spmem:s3] =	stream.indirect.scatter.add.f32 [tilespmem:s18], [sflag:$0x4], $0x80, s23, s16, $0xb8;
	[tilespmem:$0x1D400] =	vst v63  }
0x7a: {  	_ =	swait.ge [sflag:s22], $0x4000  }
0x7b: {  	[sflag:s22] =	ssyncset.done $0x0  }
0x7c: {  	[sflag:s22] =	ssyncadd.s32 $0xFFFFC000  }
0x7d: {  	[tilespmem:s17], [sflag:$0x1] =	stream.indirect.gather [hbm4b:s1+s16], $0x80, s25, s16, $0xb8;
	[tilespmem:$0x1D400] =	vst v63  }
0x7e: {  	_ =	swait.ge [sflag:s24], $0x4000  }
0x7f: {  	[sflag:s24] =	ssyncset.done $0x0  }
0x80: {  	[sflag:s24] =	ssyncadd.s32 $0xFFFFC000  }
0x81: {  	[tilespmem:s18], [sflag:$0x2] =	stream.indirect.gather [hbm4b:s1+s16], $0x80, s26, s16, $0xb8;
	[tilespmem:$0x1D400] =	vst v63  }
0x82: {  	_ =	swait.ge [sflag:s19], $0x4000  }
0x83: {  	[sflag:s19] =	ssyncset.done $0x0  }
0x84: {  	[sflag:s19] =	ssyncadd.s32 $0xFFFFC000  }
0x85: {  	[spmem:s3] =	stream.indirect.scatter.add.f32 [tilespmem:s17], [sflag:$0x3], $0x80, s28, s16, $0xb8;
	[tilespmem:$0x1D400] =	vst v63  }
0x86: {  	_ =	swait.ge [sflag:s20], $0x4000  }
0x87: {  	[sflag:s20] =	ssyncset.done $0x0  }
0x88: {  	[sflag:s20] =	ssyncadd.s32 $0xFFFFC000  }
0x89: {  	[spmem:s3] =	stream.indirect.scatter.add.f32 [tilespmem:s18], [sflag:$0x4], $0x80, s29, s16, $0xb8;
	[tilespmem:$0x1D400] =	vst v63  }
0x8a: {  	_ =	swait.ge [sflag:s22], $0x4000  }
0x8b: {  	[sflag:s22] =	ssyncset.done $0x0  }
0x8c: {  	[sflag:s22] =	ssyncadd.s32 $0xFFFFC000  }
0x8d: {  	[tilespmem:s17], [sflag:$0x1] =	stream.indirect.gather [hbm4b:s1+s16], $0x80, s30, s16, $0xb8;
	[tilespmem:$0x1D400] =	vst v63  }
0x8e: {  	_ =	swait.ge [sflag:s24], $0x4000  }
0x8f: {  	[sflag:s24] =	ssyncset.done $0x0  }
0x90: {  	[sflag:s24] =	ssyncadd.s32 $0xFFFFC000  }
0x91: {  	[tilespmem:s18], [sflag:$0x2] =	stream.indirect.gather [hbm4b:s1+s16], $0x80, s31, s16, $0xb8;
	[tilespmem:$0x1D400] =	vst v63  }
0x92: {  	_ =	swait.ge [sflag:s19], $0x4000  }
0x93: {  	[sflag:s19] =	ssyncset.done $0x0  }
0x94: {  	[sflag:s19] =	ssyncadd.s32 $0xFFFFC000  }
0x95: {  	[spmem:s3] =	stream.indirect.scatter.add.f32 [tilespmem:s17], [sflag:$0x3], $0x80, s0, s16, $0xb8;
	[tilespmem:$0x1D400] =	vst v63  }
0x96: {  	_ =	swait.ge [sflag:s20], $0x4000  }
0x97: {  	[sflag:s20] =	ssyncset.done $0x0  }
0x98: {  	[sflag:s20] =	ssyncadd.s32 $0xFFFFC000  }
0x99: {  	[spmem:s3] =	stream.indirect.scatter.add.f32 [tilespmem:s18], [sflag:$0x4], $0x80, s2, s16, $0xb8;
	[tilespmem:$0x1D400] =	vst v63  }
0x9a: {  	_ =	swait.ge [sflag:s22], $0x4000  }
0x9b: {  	[sflag:s22] =	ssyncset.done $0x0  }
0x9c: {  	[sflag:s22] =	ssyncadd.s32 $0xFFFFC000  }
0x9d: {  	[tilespmem:s17], [sflag:$0x1] =	stream.indirect.gather [hbm4b:s1+s16], $0x80, s6, s16, $0xb8;
	[tilespmem:$0x1D400] =	vst v63  }
0x9e: {  	_ =	swait.ge [sflag:s24], $0x4000  }
0x9f: {  	[sflag:s24] =	ssyncset.done $0x0  }
0xa0: {  	[sflag:s24] =	ssyncadd.s32 $0xFFFFC000  }
0xa1: {  	[tilespmem:s18], [sflag:$0x2] =	stream.indirect.gather [hbm4b:s1+s16], $0x80, s8, s16, $0xb8;
	[tilespmem:$0x1D400] =	vst v63  }
0xa2: {  	_ =	swait.ge [sflag:s19], $0x4000  }
0xa3: {  	[sflag:s19] =	ssyncset.done $0x0  }
0xa4: {  	[sflag:s19] =	ssyncadd.s32 $0xFFFFC000  }
0xa5: {  	[spmem:s3] =	stream.indirect.scatter.add.f32 [tilespmem:s17], [sflag:$0x3], $0x80, s9, s16, $0xb8;
	[tilespmem:$0x1D400] =	vst v63  }
0xa6: {  	_ =	swait.ge [sflag:s20], $0x4000  }
0xa7: {  	[sflag:s20] =	ssyncset.done $0x0  }
0xa8: {  	[sflag:s20] =	ssyncadd.s32 $0xFFFFC000  }
0xa9: {  	[spmem:s3] =	stream.indirect.scatter.add.f32 [tilespmem:s18], [sflag:$0x4], $0x80, s12, s16, $0xb8;
	[tilespmem:$0x1D400] =	vst v63  }
0xaa: {  	_ =	swait.ge [sflag:s22], $0x4000  }
0xab: {  	[sflag:s22] =	ssyncset.done $0x0  }
0xac: {  	[sflag:s22] =	ssyncadd.s32 $0xFFFFC000  }
0xad: {  	[tilespmem:s17], [sflag:$0x1] =	stream.indirect.gather [hbm4b:s1+s16], $0x80, s14, s16, $0xb8;
	[tilespmem:$0x1D400] =	vst v63  }
0xae: {  	_ =	swait.ge [sflag:s24], $0x4000  }
0xaf: {  	[sflag:s24] =	ssyncset.done $0x0  }
0xb0: {  	p1 =	slt.u32 @!p0 s7, $0x8;
	[sflag:s24] =	ssyncadd.s32 $0xFFFFC000  }
0xb1: {  	[tilespmem:s18], [sflag:$0x2] =	stream.indirect.gather [hbm4b:s1+s16], $0x80, s21, s16, $0xb8;
	[tilespmem:$0x1D400] =	vst v63  }
0xb2: {  	p1 =	por p0, !p1;
	_ =	swait.ge [sflag:s19], $0x4000  }
.Ltmp0:
0xb3: {  	[sflag:s19] =	ssyncset.done $0x0;
	(pc) =	sbr.rel @!p1 .LBB2_2-.Ltmp0, $4  }
0xb4: {  	[sflag:s19] =	ssyncadd.s32 $0xFFFFC000  }
0xb5: {  	_ =	swait.ge [sflag:s20], $0x4000  }
0xb6: {  	s7 =	sadd.s32 $0x1, s7;
	[sflag:s20] =	ssyncset.done $0x0  }
0xb7: {  	s10 =	sadd.s32 $0x100, s10;
	s11 =	sadd.s32 $0x100, s11;
	[sflag:s20] =	ssyncadd.s32 $0xFFFFC000  }
0xb8: {  	[bflag:$0x0] =	sbarrier.arrive $0xFFFF  }
0xb9: {  	s10 =	rddreg [dreg:$0x5]  }
0xba: {  	s7 =	rddreg [dreg:$0x6]  }
0xbb: {  	s11 =	rddreg [dreg:$0xa]  }
0xbc: {  	[hbm:s7], [sflag:s10] =	dma.local [spmem:s11], $0x2800  }
0xbd: {  	_ =	swait.ge [sflag:s13], $0x2800  }
0xbe: {  	s0 =	rddreg [dreg:$0xb]  }
0xbf: {  	s23 =	rddreg [dreg:$0x7];
	s0 =	sadd.s32 $0x1, s0  }
0xc0: {  	p1 =	sne.s32 s0, s23  }
.Ltmp1:
0xc1: {  	_ = 	snop;
	(pc) =	sbr.rel @p1 .LBB2_1-.Ltmp1, $3  }
0xc2: {  	_ =	sdelay $0x1  }
0xc3: {  	[sflag:s13] =	ssyncset.done $0x0  }
0xc4: {  	[sflag:s13] =	ssyncadd.s32 $0xFFFFD800  }
0xc5: {  	_ =	sfence.sel $0x180000  }
0xc6: {  	[bflag:$0x0] =	sbarrier.arrive $0xFFFF  }
0xc7: {  	_ =	strace $0x90000047  }
0xc8: {  	s0 =	stileid.u32;
	[bflag:$0x2] =	sbarrier.arrive $0xFFFF  }
0xc9: {  	p0 =	sne.s32 s0, $0x0;
	s0 =	rddreg [dreg:$0x3]  }
0xca: {  	s0 =	sadd.s32 @!p0 $0x100000, s0  }
0xcb: {  	[sflag:s0] =	ssyncadd.tile.s32 @!p0 $0x1;
	_ =	shalt  }
.Lfunc_end2:
_tile_overlayer_lowered:
.L_overlay_start_2:
0xcc: {  	(tag) =	ssettag $0x2  }
0xcd: {  	s0 =	rddreg [dreg:$0x0];
	s2 =	stileid.u32  }
0xce: {  	s1 =	rddreg [dreg:$0x1];
	p0 =	sne.s32 s2, $0x0  }
0xcf: {  	s3 =	rddreg [dreg:$0x2];
	[bflag:$0x3] =	sbarrier.arrive $0xFFFF;
	s2 =	simm.s32 @!p0 $0x1C05  }
0xd0: {  	[timem:s3], [sflag:s2] =	dma.local @!p0 [hbm:s0], s1  }
0xd1: {  	s0 =	simm.s32 @!p0 $0x5  }
0xd2: {  	_ =	swait.ge @!p0 [sflag:s0], s1  }
0xd3: {  	s1 =	ssub.s32 @!p0 $0x0, s1;
	[sflag:s0] =	ssyncset.done @!p0 $0x0  }
0xd4: {  	[sflag:s0] =	ssyncadd.s32 @!p0 s1  }
0xd5: {  	[bflag:$0x3] =	sbarrier.arrive $0xFFFF  }
0xd6: {  	_ =	shalt  }

// kernel: sc_seg_agg.7.cloned.1.call-start
scs
__scs_entry_jumppad:
0x0: {  	(pc) =	sbr.rel $0x88, $3  }
0x1: {  	(tag) =	ssettag $0x0;
	lr =	simm.s32 $0x1  }
0x2: {  	[smem:$0x3F94] =	sst lr;
	_ =	strace $0xD0000000  }
0x3: {  	_ = 	snop  }
0x4: {  	_ = 	snop  }
0x5: {  	_ = 	snop  }
0x6: {  	_ = 	snop  }
0x7: {  	_ = 	snop  }
__scs_overlays_trampoline_lowered:
0x8: {  	[smem:$0x3FA3] =	sst s0  }
0x9: {  	[smem:$0x3FA4] =	sst s1  }
0xa: {  	[smem:$0x3FA5] =	sst s2  }
0xb: {  	[smem:$0x3FA6] =	sst s3  }
0xc: {  	[smem:$0x3FA7] =	sst s4  }
0xd: {  	[smem:$0x3FA8] =	sst s5  }
0xe: {  	[smem:$0x3FA9] =	sst s6  }
0xf: {  	[smem:$0x3FAA] =	sst s7  }
0x10: {  	[smem:$0x3FAB] =	sst s8  }
0x11: {  	[smem:$0x3FAC] =	sst s9;
	s0 =	simm.s32 @!p0 $0x0  }
0x12: {  	s1 =	sld [smem:$0x3F92];
	s0 =	simm.s32 @p0 $0x1  }
0x13: {  	[smem:$0x3FAD] =	sst s0;
	s0 =	simm.s32 @!p1 $0x0  }
0x14: {  	s2 =	sld [smem:$0x3F91];
	s0 =	simm.s32 @p1 $0x1  }
0x15: {  	[smem:$0x3FAE] =	sst s0;
	s0 =	simm.s32 @!p2 $0x0  }
0x16: {  	s3 =	sld [smem:$0x3FDB];
	s0 =	simm.s32 @p2 $0x1  }
0x17: {  	s4 =	simm.s32 $0x1BF5;
	[smem:$0x3FB0] =	sst s0  }
0x18: {  	s0 =	sld [smem:$0x3F93];
	_ =	swait.ge [sflag:s4], $0x0  }
0x19: {  	s7 =	sld [smem:$0x3F94]  }
0x1a: {  	s8 =	sadd.s32 $0xFFFFE003, lr  }
0x1b: {  	s9 =	sadd.s32 $0xFFFFFEF7, lr;
	s5 =	simm.s32 $0xFFFFFFFF;
	p2 =	slt.u32 s8, $0xFFFFF086  }
0x1c: {  	p1 =	slt.u32 s9, $0xF7A;
	s5 =	simm.s32 @!p2 $0x0  }
0x1d: {  	s5 =	simm.s32 @p1 $0x1;
	p0 =	seq.s32 s7, s2  }
0x1e: {  	s7 =	smul.u32 @!p0 $0xF7A, s2;
	p2 =	seq.s32 @!p0 s5, $0x0  }
0x1f: {  	s9 =	smul.u32 $0xF7A, s1;
	s8 =	simm.s32 @!p0 $0x1BF5;
	p2 =	por !p2, p0  }
0x20: {  	[sflag:s8] =	ssyncset.s32 @!p0 $0xFFFFF086;
	s6 =	sadd.s32 @!p0 s3, s7;
	s7 =	simm.s32 @!p0 $0x108  }
0x21: {  	s3 =	sadd.s32 s3, s9;
	s6 =	sadd.s32 @!p0 $0x88, s6;
	s7 =	simm.s32 @p2 $0x1082  }
0x22: {  	[simem:s7], [sflag:s8] =	dma.local @!p0 [hbm:s6], $0xF7A  }
0x23: {  	s9 =	sor.u32 $0xD0000000, s2;
	s6 =	simm.s32 $0x108;
	_ =	swait.ge @!p0 [sflag:s8], $0x0  }
0x24: {  	s3 =	sadd.s32 $0x88, s3;
	s6 =	simm.s32 @!p1 $0x1082;
	[sflag:s4] =	ssyncset.s32 $0xFFFFF086  }
0x25: {  	[simem:s6], [sflag:s4] =	dma.local [hbm:s3], $0xF7A  }
0x26: {  	[smem:$0x3F94] =	sst s1;
	(tag) =	ssettag s2;
	_ =	strace s9  }
0x27: {  	s1 =	sld [smem:$0x3FA4]  }
0x28: {  	s2 =	sld [smem:$0x3FA5]  }
0x29: {  	s4 =	sld [smem:$0x3FA7]  }
0x2a: {  	p0 =	seq.s32 s5, $0x0;
	s5 =	sld [smem:$0x3FA8]  }
0x2b: {  	s6 =	sld [smem:$0x3FA9]  }
0x2c: {  	s7 =	sld [smem:$0x3FAA]  }
0x2d: {  	s3 =	simm.s32 $0x108;
	s8 =	sld [smem:$0x3FAB]  }
0x2e: {  	s3 =	simm.s32 @!p0 $0x1082;
	s9 =	sld [smem:$0x3FAC]  }
0x2f: {  	lr =	sadd.s32 s0, s3;
	s0 =	sld [smem:$0x3FA3]  }
0x30: {  	s3 =	sld [smem:$0x3FA6]  }
0x31: {  	[smem:$0x3FAF] =	sst s10  }
0x32: {  	s10 =	sld [smem:$0x3FAD];
	_ =	sdelay $0x3  }
0x33: {  	p0 =	seq.s32 s10, $0x1;
	s10 =	sld [smem:$0x3FAF];
	_ =	sdelay $0x3  }
0x34: {  	[smem:$0x3FAF] =	sst s10  }
0x35: {  	s10 =	sld [smem:$0x3FAE];
	_ =	sdelay $0x3  }
0x36: {  	p1 =	seq.s32 s10, $0x1;
	s10 =	sld [smem:$0x3FAF];
	_ =	sdelay $0x3  }
0x37: {  	[smem:$0x3FAF] =	sst s10  }
0x38: {  	s10 =	sld [smem:$0x3FB0]  }
0x39: {  	_ = 	snop;
	(pc) =	sbr.ind lr, $3  }
0x3a: {  	_ = 	snop  }
0x3b: {  	_ = 	snop  }
0x3c: {  	p2 =	seq.s32 s10, $0x1;
	s10 =	sld [smem:$0x3FAF]  }
0x3d: {  	_ =	shalt  }
0x3e: {  	_ =	shalt  }
0x3f: {  	_ =	shalt  }
0x40: {  	_ =	shalt  }
0x41: {  	_ =	shalt  }
0x42: {  	_ =	shalt  }
0x43: {  	_ =	shalt  }
0x44: {  	_ =	shalt  }
0x45: {  	_ =	shalt  }
0x46: {  	_ =	shalt  }
0x47: {  	_ =	shalt  }
0x48: {  	_ =	shalt  }
0x49: {  	_ =	shalt  }
0x4a: {  	_ =	shalt  }
0x4b: {  	_ =	shalt  }
0x4c: {  	_ =	shalt  }
0x4d: {  	_ =	shalt  }
0x4e: {  	_ =	shalt  }
0x4f: {  	_ =	shalt  }
0x50: {  	_ =	shalt  }
0x51: {  	_ =	shalt  }
0x52: {  	_ =	shalt  }
0x53: {  	_ =	shalt  }
0x54: {  	_ =	shalt  }
0x55: {  	_ =	shalt  }
0x56: {  	_ =	shalt  }
0x57: {  	_ =	shalt  }
0x58: {  	_ =	shalt  }
0x59: {  	_ =	shalt  }
0x5a: {  	_ =	shalt  }
0x5b: {  	_ =	shalt  }
0x5c: {  	_ =	shalt  }
0x5d: {  	_ =	shalt  }
0x5e: {  	_ =	shalt  }
0x5f: {  	_ =	shalt  }
0x60: {  	_ =	shalt  }
0x61: {  	_ =	shalt  }
0x62: {  	_ =	shalt  }
0x63: {  	_ =	shalt  }
0x64: {  	_ =	shalt  }
0x65: {  	_ =	shalt  }
0x66: {  	_ =	shalt  }
0x67: {  	_ =	shalt  }
0x68: {  	_ =	shalt  }
0x69: {  	_ =	shalt  }
0x6a: {  	_ =	shalt  }
0x6b: {  	_ =	shalt  }
0x6c: {  	_ =	shalt  }
0x6d: {  	_ =	shalt  }
0x6e: {  	_ =	shalt  }
0x6f: {  	_ =	shalt  }
0x70: {  	_ =	shalt  }
0x71: {  	_ =	shalt  }
0x72: {  	_ =	shalt  }
0x73: {  	_ =	shalt  }
0x74: {  	_ =	shalt  }
0x75: {  	_ =	shalt  }
0x76: {  	_ =	shalt  }
0x77: {  	_ =	shalt  }
0x78: {  	_ =	shalt  }
0x79: {  	_ =	shalt  }
0x7a: {  	_ =	shalt  }
0x7b: {  	_ =	shalt  }
0x7c: {  	_ =	shalt  }
0x7d: {  	_ =	shalt  }
0x7e: {  	_ =	shalt  }
0x7f: {  	_ =	shalt  }
0x80: {  	_ =	shalt  }
0x81: {  	_ =	shalt  }
0x82: {  	_ =	shalt  }
0x83: {  	_ =	shalt  }
0x84: {  	_ =	shalt  }
0x85: {  	_ =	shalt  }
0x86: {  	_ =	shalt  }
0x87: {  	_ =	shalt  }
.Lfunc_end0:
.L_simem_size_0:
called_computation.2_lowered:
.L_overlay_start_0:
0x88: {  	s2 =	sld [smem:$0x3FD9]  }
0x89: {  	s3 =	sld [smem:$0x3FFE];
	_ =	sdelay $0x1  }
0x8a: {  	s1 =	srdreg.scid  }
0x8b: {  	s0 =	sand.u32 $0x1, s1  }
0x8c: {  	s16 =	sshll.u32 s0, $0xA;
	s2 =	sadd.s32 s3, s2  }
0x8d: {  	s2 =	sadd.s32 s2, s16  }
0x8e: {  	[smem:$0x3FBB] =	sst s2  }
0x8f: {  	_ = 	snop  }
0x90: {  	(tm) =	ssettm $0x1  }
0x91: {  	s17 =	sld [smem:$0x3FFB];
	_ =	sdelay $0x3  }
0x92: {  	_ =	strace s17  }
0x93: {  	s2 =	sld [smem:$0x3FFC];
	_ =	sdelay $0x3  }
0x94: {  	_ =	strace s2  }
0x95: {  	s2 =	sld [smem:$0x3FFD];
	_ =	sdelay $0x3  }
0x96: {  	_ =	strace s2  }
0x97: {  	_ =	strace $0x8FFFFFFF  }
0x98: {  	s18 =	sld [smem:$0x3FDB];
	_ =	sdelay $0x1  }
0x99: {  	s19 =	simm.s32 $_scs_section_size  }
0x9a: {  	s4 =	simm.s32 $_size__tile_overlayer_lowered;
	s5 =	simm.s32 $_tile_overlayer_lowered  }
0x9b: {  	s22 =	simm.s32 $0x1BFF;
	s21 =	sshll.u32 s5, $0x1;
	s2 =	sadd.s32 s19, s18  }
0x9c: {  	s6 =	simm.s32 $0x0;
	s20 =	sshll.u32 s4, $0x1;
	s4 =	sadd.s32 s21, s2  }
0x9d: {  	[timem:s6], [sflag:s22] =	dma.local [hbm:s4], s20  }
0x9e: {  	_ =	swait.ge [sflag:s22], s20  }
0x9f: {  	s3 =	ssub.s32 $0x0, s20;
	[sflag:s22] =	ssyncset.done $0x0  }
0xa0: {  	[sflag:s22] =	ssyncadd.s32 s3;
	_ =	sdelay $0x1  }
0xa1: {  	s23 =	simm.s32 $0x1B8B  }
0xa2: {  	_ =	swait.ge [sflag:s23], $0x1  }
0xa3: {  	[sflag:s23] =	ssyncset.done $0x0  }
0xa4: {  	s25 =	simm.s32 $0x1B8E;
	s24 =	sld [smem:$0x3FFE];
	[sflag:s23] =	ssyncadd.s32 $0xFFFFFFFF  }
0xa5: {  	s26 =	simm.s32 $execute0_lowered;
	[smem:$0x3FD2] =	sst s25  }
0xa6: {  	s4 =	sshll.u32 s26, $0x1;
	_ =	strace $0x8000004C;
	[dreg:$0x1] =	wrdreg $0xFFFFFFFF  }
0xa7: {  	s28 =	simm.s32 $_size_execute0_lowered;
	s2 =	sadd.s32 s2, s4;
	[dreg:$0x0] =	wrdreg $0x0  }
0xa8: {  	s4 =	sshll.u32 s28, $0x1;
	[dreg:$0x2] =	wrdreg s2  }
0xa9: {  	[dreg:$0x3] =	wrdreg s4  }
0xaa: {  	[dreg:$0x4] =	wrdreg $0xC0  }
0xab: {  	_ =	task [dreg:s6], $0x5FFFF  }
0xac: {  	[dreg:$0x1] =	wrdreg $0xFFFFFFFF  }
0xad: {  	[dreg:$0x0] =	wrdreg $0x60  }
0xae: {  	[dreg:$0x2] =	wrdreg s24  }
0xaf: {  	[dreg:$0x3] =	wrdreg $0x94000  }
0xb0: {  	[dreg:$0x4] =	wrdreg $0x9  }
0xb1: {  	_ =	task.clear_ibuf [dreg:s6], $0x5FFFF;
	_ =	strace $0x9000004C  }
0xb2: {  	s29 =	simm.s32 $0x9;
	_ =	strace $0x8000004E  }
0xb3: {  	_ =	swait.ge [sflag:s29], $0x1  }
0xb4: {  	[sflag:s29] =	ssyncadd.s32 $0xFFFFFFFF  }
0xb5: {  	_ =	strace $0x9000004E  }
0xb6: {  	_ =	sfence  }
0xb7: {  	s30 =	sld [smem:$0x0];
	_ =	sdelay $0x2  }
0xb8: {  	s31 =	sshll.u32 s1, $0xD;
	s1 =	sshrl.u32 s1, $0x2  }
0xb9: {  	s3 =	sand.u32 $0x4000, s31;
	s1 =	sadd.s32 s1, s30  }
0xba: {  	s0 =	sor.u32 s3, s0;
	s1 =	sshll.u32 s1, $0x11  }
0xbb: {  	s0 =	sor.u32 s1, s0  }
0xbc: {  	s0 =	sadd.s32 $0x8F2B, s0  }
0xbd: {  	[sflag:s0] =	ssyncadd.remote.s32 $0x1  }
0xbe: {  	_ =	sfence.sel $0xFFFF  }
0xbf: {  	[dreg:$0x0] =	wrdreg $0xFFFFFFFF;
	(pc) =	sbr.abs _section_cstart, $3  }
0xc0: {  	[dreg:$0x1] =	wrdreg $0xFFFFFFFF  }
0xc1: {  	_ =	task.clear_ibuf [dreg:s6], $0x2FFFF;
	_ =	strace $0x9FFFFFFF  }
0xc2: {  	(tm) =	ssettm $0x7FFFFFFF  }
0xc3: {  	_ =	shalt  }
tec
execute0_lowered:
.L_overlay_start_1:
0x0: {  	(tag) =	ssettag $0x1  }
0x1: {  	s0 =	rddreg [dreg:$0x0]  }
0x2: {  	s2 =	rddreg [dreg:$0x1];
	s3 =	simm.s32 $0x0  }
0x3: {  	s1 =	srdreg.scid;
	s13 =	stileid.u32;
	s14 =	simm.s32 $0x800  }
0x4: {  	s15 =	simm.s32 $0xC00;
	s16 =	simm.s32 $0x80;
	s17 =	simm.s32 $0x1400  }
0x5: {  	s18 =	simm.s32 $0x5400;
	s19 =	simm.s32 $0x1;
	s28 =	simm.s32 $0x1100  }
0x6: {  	s29 =	simm.s32 $0x1180;
	s30 =	simm.s32 $0x600;
	s4 =	smul.u32 $0x90, s13  }
0x7: {  	s31 =	simm.s32 $0x680;
	s1 =	sand.u32 $0x1, s1;
	s6 =	smul.u32 $0x14000, s13  }
0x8: {  	s5 =	sshll.u32 s13, $0x4;
	[smem:$0x7FF] =	sst s3;
	s11 =	smul.u32 $0x50000, s13  }
0x9: {  	s23 =	sshll.u32 s13, $0x6;
	s13 =	simm.s32 $0x5;
	p0 =	seq.s32 s1, $0x0  }
0xa: {  	s5 =	sor.u32 $0x900, s5;
	_ =	strace $0x8000004D;
	s8 =	smul.u32 $0x140000, s1  }
0xb: {  	s20 =	ssub.s32 $0x2, s1;
	s5 =	smov.u32 @p0 s4;
	s4 =	sadd.s32 $0x3EC00, s0  }
0xc: {  	s10 =	sshrl.u32 s6, $0x3;
	s12 =	sshrl.u32 s20, $0x1;
	s22 =	sshrl.u32 s11, $0x2  }
0xd: {  	p0 =	sne.s32 s1, $0x0;
	s1 =	simm.s32 $0x1280;
	s7 =	sshll.u32 s5, $0x4  }
0xe: {  	s5 =	sadd.s32 $0xCC00, s0;
	s6 =	sadd.s32 s6, s8;
	s10 =	sadd.s32 s10, s0  }
0xf: {  	s21 =	ssub.s32 s20, s12;
	s8 =	sadd.s32 s22, s2;
	s20 =	simm.s32 $0x2  }
0x10: {  	s22 =	simm.s32 $0x3;
	s12 =	simm.s32 $0x1380;
	s9 =	sadd.s32 s7, s0  }
0x11: {  	s6 =	sshrl.u32 s6, $0x3;
	s10 =	sadd.s32 $0x16C00, s10;
	s24 =	smax.u32 s21, $0x1  }
0x12: {  	s26 =	sadd.s32 s7, s5;
	s11 =	sshrl.u32 s8, $0x3;
	[dreg:$0x3] =	wrdreg s10  }
0x13: {  	s8 =	simm.s32 $0x780;
	s21 =	simm.s32 $0x880;
	[dreg:$0x6] =	wrdreg s24  }
0x14: {  	s0 =	sadd.s32 s6, s0;
	s10 =	sor.u32 $0x1C05, s23;
	[dreg:$0x8] =	wrdreg s26  }
0x15: {  	s25 =	sadd.s32 $0x2C00, s9;
	s24 =	simm.s32 $0x4;
	[dreg:$0x9] =	wrdreg s11  }
0x16: {  	s26 =	simm.s32 $0x580;
	s6 =	simm.s32 $0x700;
	[dreg:$0x7] =	wrdreg s25  }
0x17: {  	s9 =	simm.s32 $0x1300;
	s0 =	sadd.s32 $0xDEC00, s0;
	[dreg:$0x4] =	wrdreg s10  }
0x18: {  	s25 =	simm.s32 $0x500;
	[dreg:$0x5] =	wrdreg s0;
	s0 =	simm.s32 $0x0  }
.LBB2_1:
0x19: {  	[dreg:$0xa] =	wrdreg s0  }
0x1a: {  	s7 =	rddreg [dreg:$0x3]  }
0x1b: {  	[spmem:s11], [sflag:s10] =	dma.local [hbm:s7], $0x2800  }
0x1c: {  	_ =	swait.ge [sflag:s13], $0x2800  }
0x1d: {  	[sflag:s13] =	ssyncset.done $0x0  }
0x1e: {  	[sflag:s13] =	ssyncadd.s32 $0xFFFFD800  }
0x1f: {  	[bflag:$0x0] =	sbarrier.arrive $0xFFFF  }
0x20: {  	s10 =	rddreg [dreg:$0x8]  }
0x21: {  	s0 =	simm.s32 $0x1200;
	s7 =	simm.s32 $0x0;
	s11 =	rddreg [dreg:$0x7]  }
.LBB2_2:
0x22: {  	[tilespmem:s3], [sflag:$0x5] =	stream.linear.gather [hbm4b:s10+s3], $0x800, $0x38;
	[tilespmem:$0x1D400] =	vst v63  }
0x23: {  	_ =	swait.ge [sflag:s13], $0x800  }
0x24: {  	[sflag:s13] =	ssyncset.done $0x0  }
0x25: {  	[sflag:s13] =	ssyncadd.s32 $0xFFFFF800  }
0x26: {  	[tilespmem:s14], [sflag:$0x5] =	stream.linear.gather [hbm4b:s5+s3], $0x100, $0x38;
	[tilespmem:$0x1D400] =	vst v63  }
0x27: {  	_ =	swait.ge [sflag:s13], $0x100  }
0x28: {  	[sflag:s13] =	ssyncset.done $0x0  }
0x29: {  	[sflag:s13] =	ssyncadd.s32 $0xFFFFFF00  }
0x2a: {  	[tilespmem:s15], [sflag:$0x5] =	stream.linear.gather [hbm4b:s11+s3], $0x800, $0x38;
	[tilespmem:$0x1D400] =	vst v63  }
0x2b: {  	_ =	swait.ge [sflag:s13], $0x800  }
0x2c: {  	[sflag:s13] =	ssyncset.done $0x0  }
0x2d: {  	[sflag:s13] =	ssyncadd.s32 $0xFFFFF800  }
0x2e: {  	[tilespmem:s17], [sflag:$0x1] =	stream.indirect.gather [hbm4b:s4+s16], $0x80, s3, s16, $0xb8;
	[tilespmem:$0x1D400] =	vst v63  }
0x2f: {  	_ = 	snop  }
0x30: {  	[tilespmem:s18], [sflag:$0x2] =	stream.indirect.gather [hbm4b:s4+s16], $0x80, s16, s16, $0xb8;
	[tilespmem:$0x1D400] =	vst v63  }
0x31: {  	_ =	swait.ge [sflag:s19], $0x4000  }
0x32: {  	[sflag:s19] =	ssyncset.done $0x0  }
0x33: {  	[sflag:s19] =	ssyncadd.s32 $0xFFFFC000  }
0x34: {  	[spmem:s2] =	stream.indirect.scatter.add.f32 [tilespmem:s17], [sflag:$0x3], $0x80, s15, s16, $0xb8;
	[tilespmem:$0x1D400] =	vst v63  }
0x35: {  	_ =	swait.ge [sflag:s20], $0x4000  }
0x36: {  	[sflag:s20] =	ssyncset.done $0x0  }
0x37: {  	s23 =	simm.s32 $0xC80;
	[sflag:s20] =	ssyncadd.s32 $0xFFFFC000  }
0x38: {  	[spmem:s2] =	stream.indirect.scatter.add.f32 [tilespmem:s18], [sflag:$0x4], $0x80, s23, s16, $0xb8;
	[tilespmem:$0x1D400] =	vst v63  }
0x39: {  	_ =	swait.ge [sflag:s22], $0x4000  }
0x3a: {  	[sflag:s22] =	ssyncset.done $0x0  }
0x3b: {  	s23 =	simm.s32 $0x100;
	[sflag:s22] =	ssyncadd.s32 $0xFFFFC000  }
0x3c: {  	[tilespmem:s17], [sflag:$0x1] =	stream.indirect.gather [hbm4b:s4+s16], $0x80, s23, s16, $0xb8;
	[tilespmem:$0x1D400] =	vst v63  }
0x3d: {  	_ =	swait.ge [sflag:s24], $0x4000  }
0x3e: {  	[sflag:s24] =	ssyncset.done $0x0  }
0x3f: {  	s23 =	simm.s32 $0x180;
	[sflag:s24] =	ssyncadd.s32 $0xFFFFC000  }
0x40: {  	[tilespmem:s18], [sflag:$0x2] =	stream.indirect.gather [hbm4b:s4+s16], $0x80, s23, s16, $0xb8;
	[tilespmem:$0x1D400] =	vst v63  }
0x41: {  	_ =	swait.ge [sflag:s19], $0x4000  }
0x42: {  	[sflag:s19] =	ssyncset.done $0x0  }
0x43: {  	s23 =	simm.s32 $0xD00;
	[sflag:s19] =	ssyncadd.s32 $0xFFFFC000  }
0x44: {  	[spmem:s2] =	stream.indirect.scatter.add.f32 [tilespmem:s17], [sflag:$0x3], $0x80, s23, s16, $0xb8;
	[tilespmem:$0x1D400] =	vst v63  }
0x45: {  	_ =	swait.ge [sflag:s20], $0x4000  }
0x46: {  	[sflag:s20] =	ssyncset.done $0x0  }
0x47: {  	s23 =	simm.s32 $0xD80;
	[sflag:s20] =	ssyncadd.s32 $0xFFFFC000  }
0x48: {  	[spmem:s2] =	stream.indirect.scatter.add.f32 [tilespmem:s18], [sflag:$0x4], $0x80, s23, s16, $0xb8;
	[tilespmem:$0x1D400] =	vst v63  }
0x49: {  	_ =	swait.ge [sflag:s22], $0x4000  }
0x4a: {  	[sflag:s22] =	ssyncset.done $0x0  }
0x4b: {  	s23 =	simm.s32 $0x200;
	[sflag:s22] =	ssyncadd.s32 $0xFFFFC000  }
0x4c: {  	[tilespmem:s17], [sflag:$0x1] =	stream.indirect.gather [hbm4b:s4+s16], $0x80, s23, s16, $0xb8;
	[tilespmem:$0x1D400] =	vst v63  }
0x4d: {  	_ =	swait.ge [sflag:s24], $0x4000  }
0x4e: {  	[sflag:s24] =	ssyncset.done $0x0  }
0x4f: {  	s23 =	simm.s32 $0x280;
	[sflag:s24] =	ssyncadd.s32 $0xFFFFC000  }
0x50: {  	[tilespmem:s18], [sflag:$0x2] =	stream.indirect.gather [hbm4b:s4+s16], $0x80, s23, s16, $0xb8;
	[tilespmem:$0x1D400] =	vst v63  }
0x51: {  	_ =	swait.ge [sflag:s19], $0x4000  }
0x52: {  	[sflag:s19] =	ssyncset.done $0x0  }
0x53: {  	s23 =	simm.s32 $0xE00;
	[sflag:s19] =	ssyncadd.s32 $0xFFFFC000  }
0x54: {  	[spmem:s2] =	stream.indirect.scatter.add.f32 [tilespmem:s17], [sflag:$0x3], $0x80, s23, s16, $0xb8;
	[tilespmem:$0x1D400] =	vst v63  }
0x55: {  	_ =	swait.ge [sflag:s20], $0x4000  }
0x56: {  	[sflag:s20] =	ssyncset.done $0x0  }
0x57: {  	s23 =	simm.s32 $0xE80;
	[sflag:s20] =	ssyncadd.s32 $0xFFFFC000  }
0x58: {  	[spmem:s2] =	stream.indirect.scatter.add.f32 [tilespmem:s18], [sflag:$0x4], $0x80, s23, s16, $0xb8;
	[tilespmem:$0x1D400] =	vst v63  }
0x59: {  	_ =	swait.ge [sflag:s22], $0x4000  }
0x5a: {  	[sflag:s22] =	ssyncset.done $0x0  }
0x5b: {  	s23 =	simm.s32 $0x300;
	[sflag:s22] =	ssyncadd.s32 $0xFFFFC000  }
0x5c: {  	[tilespmem:s17], [sflag:$0x1] =	stream.indirect.gather [hbm4b:s4+s16], $0x80, s23, s16, $0xb8;
	[tilespmem:$0x1D400] =	vst v63  }
0x5d: {  	_ =	swait.ge [sflag:s24], $0x4000  }
0x5e: {  	[sflag:s24] =	ssyncset.done $0x0  }
0x5f: {  	s23 =	simm.s32 $0x380;
	[sflag:s24] =	ssyncadd.s32 $0xFFFFC000  }
0x60: {  	[tilespmem:s18], [sflag:$0x2] =	stream.indirect.gather [hbm4b:s4+s16], $0x80, s23, s16, $0xb8;
	[tilespmem:$0x1D400] =	vst v63  }
0x61: {  	_ =	swait.ge [sflag:s19], $0x4000  }
0x62: {  	[sflag:s19] =	ssyncset.done $0x0  }
0x63: {  	s23 =	simm.s32 $0xF00;
	[sflag:s19] =	ssyncadd.s32 $0xFFFFC000  }
0x64: {  	[spmem:s2] =	stream.indirect.scatter.add.f32 [tilespmem:s17], [sflag:$0x3], $0x80, s23, s16, $0xb8;
	[tilespmem:$0x1D400] =	vst v63  }
0x65: {  	_ =	swait.ge [sflag:s20], $0x4000  }
0x66: {  	[sflag:s20] =	ssyncset.done $0x0  }
0x67: {  	s23 =	simm.s32 $0xF80;
	[sflag:s20] =	ssyncadd.s32 $0xFFFFC000  }
0x68: {  	[spmem:s2] =	stream.indirect.scatter.add.f32 [tilespmem:s18], [sflag:$0x4], $0x80, s23, s16, $0xb8;
	[tilespmem:$0x1D400] =	vst v63  }
0x69: {  	_ =	swait.ge [sflag:s22], $0x4000  }
0x6a: {  	[sflag:s22] =	ssyncset.done $0x0  }
0x6b: {  	s23 =	simm.s32 $0x400;
	[sflag:s22] =	ssyncadd.s32 $0xFFFFC000  }
0x6c: {  	[tilespmem:s17], [sflag:$0x1] =	stream.indirect.gather [hbm4b:s4+s16], $0x80, s23, s16, $0xb8;
	[tilespmem:$0x1D400] =	vst v63  }
0x6d: {  	_ =	swait.ge [sflag:s24], $0x4000  }
0x6e: {  	[sflag:s24] =	ssyncset.done $0x0  }
0x6f: {  	s23 =	simm.s32 $0x480;
	[sflag:s24] =	ssyncadd.s32 $0xFFFFC000  }
0x70: {  	[tilespmem:s18], [sflag:$0x2] =	stream.indirect.gather [hbm4b:s4+s16], $0x80, s23, s16, $0xb8;
	[tilespmem:$0x1D400] =	vst v63  }
0x71: {  	_ =	swait.ge [sflag:s19], $0x4000  }
0x72: {  	[sflag:s19] =	ssyncset.done $0x0  }
0x73: {  	s23 =	simm.s32 $0x1000;
	[sflag:s19] =	ssyncadd.s32 $0xFFFFC000  }
0x74: {  	[spmem:s2] =	stream.indirect.scatter.add.f32 [tilespmem:s17], [sflag:$0x3], $0x80, s23, s16, $0xb8;
	[tilespmem:$0x1D400] =	vst v63  }
0x75: {  	_ =	swait.ge [sflag:s20], $0x4000  }
0x76: {  	[sflag:s20] =	ssyncset.done $0x0  }
0x77: {  	s23 =	simm.s32 $0x1080;
	[sflag:s20] =	ssyncadd.s32 $0xFFFFC000  }
0x78: {  	[spmem:s2] =	stream.indirect.scatter.add.f32 [tilespmem:s18], [sflag:$0x4], $0x80, s23, s16, $0xb8;
	[tilespmem:$0x1D400] =	vst v63  }
0x79: {  	_ =	swait.ge [sflag:s22], $0x4000  }
0x7a: {  	[sflag:s22] =	ssyncset.done $0x0  }
0x7b: {  	[sflag:s22] =	ssyncadd.s32 $0xFFFFC000  }
0x7c: {  	[tilespmem:s17], [sflag:$0x1] =	stream.indirect.gather [hbm4b:s4+s16], $0x80, s25, s16, $0xb8;
	[tilespmem:$0x1D400] =	vst v63  }
0x7d: {  	_ =	swait.ge [sflag:s24], $0x4000  }
0x7e: {  	[sflag:s24] =	ssyncset.done $0x0  }
0x7f: {  	[sflag:s24] =	ssyncadd.s32 $0xFFFFC000  }
0x80: {  	[tilespmem:s18], [sflag:$0x2] =	stream.indirect.gather [hbm4b:s4+s16], $0x80, s26, s16, $0xb8;
	[tilespmem:$0x1D400] =	vst v63  }
0x81: {  	_ =	swait.ge [sflag:s19], $0x4000  }
0x82: {  	[sflag:s19] =	ssyncset.done $0x0  }
0x83: {  	[sflag:s19] =	ssyncadd.s32 $0xFFFFC000  }
0x84: {  	[spmem:s2] =	stream.indirect.scatter.add.f32 [tilespmem:s17], [sflag:$0x3], $0x80, s28, s16, $0xb8;
	[tilespmem:$0x1D400] =	vst v63  }
0x85: {  	_ =	swait.ge [sflag:s20], $0x4000  }
0x86: {  	[sflag:s20] =	ssyncset.done $0x0  }
0x87: {  	[sflag:s20] =	ssyncadd.s32 $0xFFFFC000  }
0x88: {  	[spmem:s2] =	stream.indirect.scatter.add.f32 [tilespmem:s18], [sflag:$0x4], $0x80, s29, s16, $0xb8;
	[tilespmem:$0x1D400] =	vst v63  }
0x89: {  	_ =	swait.ge [sflag:s22], $0x4000  }
0x8a: {  	[sflag:s22] =	ssyncset.done $0x0  }
0x8b: {  	[sflag:s22] =	ssyncadd.s32 $0xFFFFC000  }
0x8c: {  	[tilespmem:s17], [sflag:$0x1] =	stream.indirect.gather [hbm4b:s4+s16], $0x80, s30, s16, $0xb8;
	[tilespmem:$0x1D400] =	vst v63  }
0x8d: {  	_ =	swait.ge [sflag:s24], $0x4000  }
0x8e: {  	[sflag:s24] =	ssyncset.done $0x0  }
0x8f: {  	[sflag:s24] =	ssyncadd.s32 $0xFFFFC000  }
0x90: {  	[tilespmem:s18], [sflag:$0x2] =	stream.indirect.gather [hbm4b:s4+s16], $0x80, s31, s16, $0xb8;
	[tilespmem:$0x1D400] =	vst v63  }
0x91: {  	_ =	swait.ge [sflag:s19], $0x4000  }
0x92: {  	[sflag:s19] =	ssyncset.done $0x0  }
0x93: {  	[sflag:s19] =	ssyncadd.s32 $0xFFFFC000  }
0x94: {  	[spmem:s2] =	stream.indirect.scatter.add.f32 [tilespmem:s17], [sflag:$0x3], $0x80, s0, s16, $0xb8;
	[tilespmem:$0x1D400] =	vst v63  }
0x95: {  	_ =	swait.ge [sflag:s20], $0x4000  }
0x96: {  	[sflag:s20] =	ssyncset.done $0x0  }
0x97: {  	[sflag:s20] =	ssyncadd.s32 $0xFFFFC000  }
0x98: {  	[spmem:s2] =	stream.indirect.scatter.add.f32 [tilespmem:s18], [sflag:$0x4], $0x80, s1, s16, $0xb8;
	[tilespmem:$0x1D400] =	vst v63  }
0x99: {  	_ =	swait.ge [sflag:s22], $0x4000  }
0x9a: {  	[sflag:s22] =	ssyncset.done $0x0  }
0x9b: {  	[sflag:s22] =	ssyncadd.s32 $0xFFFFC000  }
0x9c: {  	[tilespmem:s17], [sflag:$0x1] =	stream.indirect.gather [hbm4b:s4+s16], $0x80, s6, s16, $0xb8;
	[tilespmem:$0x1D400] =	vst v63  }
0x9d: {  	_ =	swait.ge [sflag:s24], $0x4000  }
0x9e: {  	[sflag:s24] =	ssyncset.done $0x0  }
0x9f: {  	[sflag:s24] =	ssyncadd.s32 $0xFFFFC000  }
0xa0: {  	[tilespmem:s18], [sflag:$0x2] =	stream.indirect.gather [hbm4b:s4+s16], $0x80, s8, s16, $0xb8;
	[tilespmem:$0x1D400] =	vst v63  }
0xa1: {  	_ =	swait.ge [sflag:s19], $0x4000  }
0xa2: {  	[sflag:s19] =	ssyncset.done $0x0  }
0xa3: {  	[sflag:s19] =	ssyncadd.s32 $0xFFFFC000  }
0xa4: {  	[spmem:s2] =	stream.indirect.scatter.add.f32 [tilespmem:s17], [sflag:$0x3], $0x80, s9, s16, $0xb8;
	[tilespmem:$0x1D400] =	vst v63  }
0xa5: {  	_ =	swait.ge [sflag:s20], $0x4000  }
0xa6: {  	[sflag:s20] =	ssyncset.done $0x0  }
0xa7: {  	[sflag:s20] =	ssyncadd.s32 $0xFFFFC000  }
0xa8: {  	[spmem:s2] =	stream.indirect.scatter.add.f32 [tilespmem:s18], [sflag:$0x4], $0x80, s12, s16, $0xb8;
	[tilespmem:$0x1D400] =	vst v63  }
0xa9: {  	_ =	swait.ge [sflag:s22], $0x4000  }
0xaa: {  	[sflag:s22] =	ssyncset.done $0x0  }
0xab: {  	[sflag:s22] =	ssyncadd.s32 $0xFFFFC000  }
0xac: {  	[tilespmem:s17], [sflag:$0x1] =	stream.indirect.gather [hbm4b:s4+s16], $0x80, s14, s16, $0xb8;
	[tilespmem:$0x1D400] =	vst v63  }
0xad: {  	_ =	swait.ge [sflag:s24], $0x4000  }
0xae: {  	[sflag:s24] =	ssyncset.done $0x0  }
0xaf: {  	p1 =	slt.u32 @!p0 s7, $0x8;
	[sflag:s24] =	ssyncadd.s32 $0xFFFFC000  }
0xb0: {  	[tilespmem:s18], [sflag:$0x2] =	stream.indirect.gather [hbm4b:s4+s16], $0x80, s21, s16, $0xb8;
	[tilespmem:$0x1D400] =	vst v63  }
0xb1: {  	p1 =	por p0, !p1;
	_ =	swait.ge [sflag:s19], $0x4000  }
.Ltmp0:
0xb2: {  	[sflag:s19] =	ssyncset.done $0x0;
	(pc) =	sbr.rel @!p1 .LBB2_2-.Ltmp0, $4  }
0xb3: {  	[sflag:s19] =	ssyncadd.s32 $0xFFFFC000  }
0xb4: {  	_ =	swait.ge [sflag:s20], $0x4000  }
0xb5: {  	s7 =	sadd.s32 $0x1, s7;
	[sflag:s20] =	ssyncset.done $0x0  }
0xb6: {  	s10 =	sadd.s32 $0x100, s10;
	s11 =	sadd.s32 $0x100, s11;
	[sflag:s20] =	ssyncadd.s32 $0xFFFFC000  }
0xb7: {  	[bflag:$0x0] =	sbarrier.arrive $0xFFFF  }
0xb8: {  	s10 =	rddreg [dreg:$0x4]  }
0xb9: {  	s7 =	rddreg [dreg:$0x5]  }
0xba: {  	s11 =	rddreg [dreg:$0x9]  }
0xbb: {  	[hbm:s7], [sflag:s10] =	dma.local [spmem:s11], $0x2800  }
0xbc: {  	_ =	swait.ge [sflag:s13], $0x2800  }
0xbd: {  	s0 =	rddreg [dreg:$0xa]  }
0xbe: {  	s23 =	rddreg [dreg:$0x6];
	s0 =	sadd.s32 $0x1, s0  }
0xbf: {  	p1 =	sne.s32 s0, s23  }
.Ltmp1:
0xc0: {  	_ = 	snop;
	(pc) =	sbr.rel @p1 .LBB2_1-.Ltmp1, $3  }
0xc1: {  	_ =	sdelay $0x1  }
0xc2: {  	[sflag:s13] =	ssyncset.done $0x0  }
0xc3: {  	[sflag:s13] =	ssyncadd.s32 $0xFFFFD800  }
0xc4: {  	_ =	sfence.sel $0x180000  }
0xc5: {  	[bflag:$0x0] =	sbarrier.arrive $0xFFFF  }
0xc6: {  	_ =	strace $0x9000004D  }
0xc7: {  	s0 =	stileid.u32;
	[bflag:$0x2] =	sbarrier.arrive $0xFFFF  }
0xc8: {  	p0 =	sne.s32 s0, $0x0;
	s0 =	rddreg [dreg:$0x2]  }
0xc9: {  	s0 =	sadd.s32 @!p0 $0x100000, s0  }
0xca: {  	[sflag:s0] =	ssyncadd.tile.s32 @!p0 $0x1;
	_ =	shalt  }
.Lfunc_end2:
_tile_overlayer_lowered:
.L_overlay_start_2:
0xcb: {  	(tag) =	ssettag $0x2  }
0xcc: {  	s0 =	rddreg [dreg:$0x0];
	s2 =	stileid.u32  }
0xcd: {  	s1 =	rddreg [dreg:$0x1];
	p0 =	sne.s32 s2, $0x0  }
0xce: {  	s3 =	rddreg [dreg:$0x2];
	[bflag:$0x3] =	sbarrier.arrive $0xFFFF;
	s2 =	simm.s32 @!p0 $0x1C05  }
0xcf: {  	[timem:s3], [sflag:s2] =	dma.local @!p0 [hbm:s0], s1  }
0xd0: {  	s0 =	simm.s32 @!p0 $0x5  }
0xd1: {  	_ =	swait.ge @!p0 [sflag:s0], s1  }
0xd2: {  	s1 =	ssub.s32 @!p0 $0x0, s1;
	[sflag:s0] =	ssyncset.done @!p0 $0x0  }
0xd3: {  	[sflag:s0] =	ssyncadd.s32 @!p0 s1  }
0xd4: {  	[bflag:$0x3] =	sbarrier.arrive $0xFFFF  }
0xd5: {  	_ =	shalt  }

// kernel: sc_seg_cnt.3.cloned.1.call-start
scs
__scs_entry_jumppad:
0x0: {  	(pc) =	sbr.rel $0x88, $3  }
0x1: {  	(tag) =	ssettag $0x0;
	lr =	simm.s32 $0x1  }
0x2: {  	[smem:$0x3F94] =	sst lr;
	_ =	strace $0xD0000000  }
0x3: {  	_ = 	snop  }
0x4: {  	_ = 	snop  }
0x5: {  	_ = 	snop  }
0x6: {  	_ = 	snop  }
0x7: {  	_ = 	snop  }
__scs_overlays_trampoline_lowered:
0x8: {  	[smem:$0x3FA3] =	sst s0  }
0x9: {  	[smem:$0x3FA4] =	sst s1  }
0xa: {  	[smem:$0x3FA5] =	sst s2  }
0xb: {  	[smem:$0x3FA6] =	sst s3  }
0xc: {  	[smem:$0x3FA7] =	sst s4  }
0xd: {  	[smem:$0x3FA8] =	sst s5  }
0xe: {  	[smem:$0x3FA9] =	sst s6  }
0xf: {  	[smem:$0x3FAA] =	sst s7  }
0x10: {  	[smem:$0x3FAB] =	sst s8  }
0x11: {  	[smem:$0x3FAC] =	sst s9;
	s0 =	simm.s32 @!p0 $0x0  }
0x12: {  	s1 =	sld [smem:$0x3F92];
	s0 =	simm.s32 @p0 $0x1  }
0x13: {  	[smem:$0x3FAD] =	sst s0;
	s0 =	simm.s32 @!p1 $0x0  }
0x14: {  	s2 =	sld [smem:$0x3F91];
	s0 =	simm.s32 @p1 $0x1  }
0x15: {  	[smem:$0x3FAE] =	sst s0;
	s0 =	simm.s32 @!p2 $0x0  }
0x16: {  	s3 =	sld [smem:$0x3FDB];
	s0 =	simm.s32 @p2 $0x1  }
0x17: {  	s4 =	simm.s32 $0x1BF5;
	[smem:$0x3FB0] =	sst s0  }
0x18: {  	s0 =	sld [smem:$0x3F93];
	_ =	swait.ge [sflag:s4], $0x0  }
0x19: {  	s7 =	sld [smem:$0x3F94]  }
0x1a: {  	s8 =	sadd.s32 $0xFFFFE003, lr  }
0x1b: {  	s9 =	sadd.s32 $0xFFFFFEF7, lr;
	s5 =	simm.s32 $0xFFFFFFFF;
	p2 =	slt.u32 s8, $0xFFFFF086  }
0x1c: {  	p1 =	slt.u32 s9, $0xF7A;
	s5 =	simm.s32 @!p2 $0x0  }
0x1d: {  	s5 =	simm.s32 @p1 $0x1;
	p0 =	seq.s32 s7, s2  }
0x1e: {  	s7 =	smul.u32 @!p0 $0xF7A, s2;
	p2 =	seq.s32 @!p0 s5, $0x0  }
0x1f: {  	s9 =	smul.u32 $0xF7A, s1;
	s8 =	simm.s32 @!p0 $0x1BF5;
	p2 =	por !p2, p0  }
0x20: {  	[sflag:s8] =	ssyncset.s32 @!p0 $0xFFFFF086;
	s6 =	sadd.s32 @!p0 s3, s7;
	s7 =	simm.s32 @!p0 $0x108  }
0x21: {  	s3 =	sadd.s32 s3, s9;
	s6 =	sadd.s32 @!p0 $0x88, s6;
	s7 =	simm.s32 @p2 $0x1082  }
0x22: {  	[simem:s7], [sflag:s8] =	dma.local @!p0 [hbm:s6], $0xF7A  }
0x23: {  	s9 =	sor.u32 $0xD0000000, s2;
	s6 =	simm.s32 $0x108;
	_ =	swait.ge @!p0 [sflag:s8], $0x0  }
0x24: {  	s3 =	sadd.s32 $0x88, s3;
	s6 =	simm.s32 @!p1 $0x1082;
	[sflag:s4] =	ssyncset.s32 $0xFFFFF086  }
0x25: {  	[simem:s6], [sflag:s4] =	dma.local [hbm:s3], $0xF7A  }
0x26: {  	[smem:$0x3F94] =	sst s1;
	(tag) =	ssettag s2;
	_ =	strace s9  }
0x27: {  	s1 =	sld [smem:$0x3FA4]  }
0x28: {  	s2 =	sld [smem:$0x3FA5]  }
0x29: {  	s4 =	sld [smem:$0x3FA7]  }
0x2a: {  	p0 =	seq.s32 s5, $0x0;
	s5 =	sld [smem:$0x3FA8]  }
0x2b: {  	s6 =	sld [smem:$0x3FA9]  }
0x2c: {  	s7 =	sld [smem:$0x3FAA]  }
0x2d: {  	s3 =	simm.s32 $0x108;
	s8 =	sld [smem:$0x3FAB]  }
0x2e: {  	s3 =	simm.s32 @!p0 $0x1082;
	s9 =	sld [smem:$0x3FAC]  }
0x2f: {  	lr =	sadd.s32 s0, s3;
	s0 =	sld [smem:$0x3FA3]  }
0x30: {  	s3 =	sld [smem:$0x3FA6]  }
0x31: {  	[smem:$0x3FAF] =	sst s10  }
0x32: {  	s10 =	sld [smem:$0x3FAD];
	_ =	sdelay $0x3  }
0x33: {  	p0 =	seq.s32 s10, $0x1;
	s10 =	sld [smem:$0x3FAF];
	_ =	sdelay $0x3  }
0x34: {  	[smem:$0x3FAF] =	sst s10  }
0x35: {  	s10 =	sld [smem:$0x3FAE];
	_ =	sdelay $0x3  }
0x36: {  	p1 =	seq.s32 s10, $0x1;
	s10 =	sld [smem:$0x3FAF];
	_ =	sdelay $0x3  }
0x37: {  	[smem:$0x3FAF] =	sst s10  }
0x38: {  	s10 =	sld [smem:$0x3FB0]  }
0x39: {  	_ = 	snop;
	(pc) =	sbr.ind lr, $3  }
0x3a: {  	_ = 	snop  }
0x3b: {  	_ = 	snop  }
0x3c: {  	p2 =	seq.s32 s10, $0x1;
	s10 =	sld [smem:$0x3FAF]  }
0x3d: {  	_ =	shalt  }
0x3e: {  	_ =	shalt  }
0x3f: {  	_ =	shalt  }
0x40: {  	_ =	shalt  }
0x41: {  	_ =	shalt  }
0x42: {  	_ =	shalt  }
0x43: {  	_ =	shalt  }
0x44: {  	_ =	shalt  }
0x45: {  	_ =	shalt  }
0x46: {  	_ =	shalt  }
0x47: {  	_ =	shalt  }
0x48: {  	_ =	shalt  }
0x49: {  	_ =	shalt  }
0x4a: {  	_ =	shalt  }
0x4b: {  	_ =	shalt  }
0x4c: {  	_ =	shalt  }
0x4d: {  	_ =	shalt  }
0x4e: {  	_ =	shalt  }
0x4f: {  	_ =	shalt  }
0x50: {  	_ =	shalt  }
0x51: {  	_ =	shalt  }
0x52: {  	_ =	shalt  }
0x53: {  	_ =	shalt  }
0x54: {  	_ =	shalt  }
0x55: {  	_ =	shalt  }
0x56: {  	_ =	shalt  }
0x57: {  	_ =	shalt  }
0x58: {  	_ =	shalt  }
0x59: {  	_ =	shalt  }
0x5a: {  	_ =	shalt  }
0x5b: {  	_ =	shalt  }
0x5c: {  	_ =	shalt  }
0x5d: {  	_ =	shalt  }
0x5e: {  	_ =	shalt  }
0x5f: {  	_ =	shalt  }
0x60: {  	_ =	shalt  }
0x61: {  	_ =	shalt  }
0x62: {  	_ =	shalt  }
0x63: {  	_ =	shalt  }
0x64: {  	_ =	shalt  }
0x65: {  	_ =	shalt  }
0x66: {  	_ =	shalt  }
0x67: {  	_ =	shalt  }
0x68: {  	_ =	shalt  }
0x69: {  	_ =	shalt  }
0x6a: {  	_ =	shalt  }
0x6b: {  	_ =	shalt  }
0x6c: {  	_ =	shalt  }
0x6d: {  	_ =	shalt  }
0x6e: {  	_ =	shalt  }
0x6f: {  	_ =	shalt  }
0x70: {  	_ =	shalt  }
0x71: {  	_ =	shalt  }
0x72: {  	_ =	shalt  }
0x73: {  	_ =	shalt  }
0x74: {  	_ =	shalt  }
0x75: {  	_ =	shalt  }
0x76: {  	_ =	shalt  }
0x77: {  	_ =	shalt  }
0x78: {  	_ =	shalt  }
0x79: {  	_ =	shalt  }
0x7a: {  	_ =	shalt  }
0x7b: {  	_ =	shalt  }
0x7c: {  	_ =	shalt  }
0x7d: {  	_ =	shalt  }
0x7e: {  	_ =	shalt  }
0x7f: {  	_ =	shalt  }
0x80: {  	_ =	shalt  }
0x81: {  	_ =	shalt  }
0x82: {  	_ =	shalt  }
0x83: {  	_ =	shalt  }
0x84: {  	_ =	shalt  }
0x85: {  	_ =	shalt  }
0x86: {  	_ =	shalt  }
0x87: {  	_ =	shalt  }
.Lfunc_end0:
.L_simem_size_0:
called_computation_lowered:
.L_overlay_start_0:
0x88: {  	s2 =	sld [smem:$0x3FD9]  }
0x89: {  	s3 =	sld [smem:$0x3FFE];
	_ =	sdelay $0x1  }
0x8a: {  	s1 =	srdreg.scid  }
0x8b: {  	s0 =	sand.u32 $0x1, s1  }
0x8c: {  	s17 =	sshll.u32 s0, $0xA;
	s2 =	sadd.s32 s3, s2  }
0x8d: {  	s2 =	sadd.s32 s2, s17  }
0x8e: {  	[smem:$0x3FBB] =	sst s2  }
0x8f: {  	_ = 	snop  }
0x90: {  	s18 =	sld [smem:$0x3FD0];
	(tm) =	ssettm $0x1  }
0x91: {  	s19 =	sld [smem:$0x3FFB];
	_ =	sdelay $0x3  }
0x92: {  	_ =	strace s19  }
0x93: {  	s2 =	sld [smem:$0x3FFC];
	_ =	sdelay $0x3  }
0x94: {  	_ =	strace s2  }
0x95: {  	s2 =	sld [smem:$0x3FFD];
	_ =	sdelay $0x3  }
0x96: {  	_ =	strace s2  }
0x97: {  	_ =	strace $0x8FFFFFFF  }
0x98: {  	s20 =	sld [smem:$0x3FDB];
	_ =	sdelay $0x1  }
0x99: {  	s4 =	simm.s32 $_scs_section_size  }
0x9a: {  	s5 =	simm.s32 $_size__tile_overlayer_lowered;
	s6 =	simm.s32 $_tile_overlayer_lowered  }
0x9b: {  	s7 =	simm.s32 $0x1BFF;
	s21 =	sshll.u32 s6, $0x1;
	s4 =	sadd.s32 s4, s20  }
0x9c: {  	s22 =	simm.s32 $0x0;
	s5 =	sshll.u32 s5, $0x1;
	s6 =	sadd.s32 s21, s4  }
0x9d: {  	[timem:s22], [sflag:s7] =	dma.local [hbm:s6], s5  }
0x9e: {  	_ =	swait.ge [sflag:s7], s5  }
0x9f: {  	s5 =	ssub.s32 $0x0, s5;
	[sflag:s7] =	ssyncset.done $0x0  }
0xa0: {  	[sflag:s7] =	ssyncadd.s32 s5;
	_ =	sdelay $0x1  }
0xa1: {  	s23 =	simm.s32 $0x1B8B  }
0xa2: {  	_ =	swait.ge [sflag:s23], $0x1  }
0xa3: {  	[sflag:s23] =	ssyncset.done $0x0  }
0xa4: {  	[sflag:s23] =	ssyncadd.s32 $0xFFFFFFFF  }
0xa5: {  	s5 =	sld [smem:$0x0]  }
0xa6: {  	s6 =	sand.u32 $0xFFFFFFFE, s1  }
0xa7: {  	p0 =	sne.s32 s1, s6  }
0xa8: {  	s6 =	sshll.u32 @p0 s6, $0xE  }
0xa9: {  	s6 =	sadd.s32 @p0 $0x11B8D, s6;
	s7 =	sshll.u32 @p0 s5, $0x11  }
0xaa: {  	s6 =	sor.u32 @p0 s7, s6  }
0xab: {  	[sflag:s6] =	ssyncadd.remote.s32 @p0 $0x1;
	_ =	sdelay $0x1  }
0xac: {  	s6 =	simm.s32 @p0 $0x1B8D  }
0xad: {  	_ =	swait.eq @p0 [sflag:s6], $0x1  }
0xae: {  	[sflag:s6] =	ssyncadd.s32 @p0 $0xFFFFFFFF  }
0xaf: {  	s7 =	sshll.u32 @!p0 s1, $0xE  }
0xb0: {  	s7 =	sor.u32 @!p0 $0x4000, s7;
	s6 =	simm.s32 @!p0 $0x1B8D  }
0xb1: {  	s5 =	sshll.u32 @!p0 s5, $0x11;
	s7 =	sadd.s32 @!p0 $0x11B8D, s7;
	_ =	swait.eq @!p0 [sflag:s6], $0x1  }
0xb2: {  	s5 =	sor.u32 @!p0 s5, s7;
	[sflag:s6] =	ssyncadd.s32 @!p0 $0xFFFFFFFF  }
0xb3: {  	s25 =	simm.s32 $0x1B8E;
	s24 =	sld [smem:$0x3FFE];
	[sflag:s5] =	ssyncadd.remote.s32 @!p0 $0x1  }
0xb4: {  	s26 =	simm.s32 $execute0_lowered;
	[smem:$0x3FD2] =	sst s25  }
0xb5: {  	s6 =	sshll.u32 s26, $0x1;
	_ =	strace $0x80000049;
	[dreg:$0x1] =	wrdreg $0xFFFFFFFF  }
0xb6: {  	s28 =	simm.s32 $_size_execute0_lowered;
	s4 =	sadd.s32 s4, s6;
	[dreg:$0x0] =	wrdreg $0x0  }
0xb7: {  	s6 =	sshll.u32 s28, $0x1;
	[dreg:$0x2] =	wrdreg s4  }
0xb8: {  	[dreg:$0x3] =	wrdreg s6  }
0xb9: {  	[dreg:$0x4] =	wrdreg $0xC0  }
0xba: {  	_ =	task [dreg:s22], $0x5FFFF  }
0xbb: {  	[dreg:$0x1] =	wrdreg $0xFFFFFFFF  }
0xbc: {  	[dreg:$0x0] =	wrdreg $0x60  }
0xbd: {  	[dreg:$0x2] =	wrdreg s24  }
0xbe: {  	[dreg:$0x3] =	wrdreg s18  }
0xbf: {  	[dreg:$0x4] =	wrdreg $0x68000  }
0xc0: {  	[dreg:$0x5] =	wrdreg $0x9  }
0xc1: {  	_ =	task.clear_ibuf [dreg:s22], $0x6FFFF;
	_ =	strace $0x90000049  }
0xc2: {  	s29 =	simm.s32 $0x9;
	_ =	strace $0x8000004B  }
0xc3: {  	_ =	swait.ge [sflag:s29], $0x1  }
0xc4: {  	[sflag:s29] =	ssyncadd.s32 $0xFFFFFFFF  }
0xc5: {  	_ =	strace $0x9000004B  }
0xc6: {  	_ =	sfence  }
0xc7: {  	s30 =	sld [smem:$0x0];
	_ =	sdelay $0x2  }
0xc8: {  	s31 =	sshll.u32 s1, $0xD;
	s1 =	sshrl.u32 s1, $0x2  }
0xc9: {  	s4 =	sand.u32 $0x4000, s31;
	s1 =	sadd.s32 s1, s30  }
0xca: {  	s0 =	sor.u32 s4, s0;
	s1 =	sshll.u32 s1, $0x11  }
0xcb: {  	s0 =	sor.u32 s1, s0  }
0xcc: {  	s0 =	sadd.s32 $0x8F2B, s0  }
0xcd: {  	[sflag:s0] =	ssyncadd.remote.s32 $0x1  }
0xce: {  	_ =	sfence.sel $0xFFFF  }
0xcf: {  	[dreg:$0x0] =	wrdreg $0xFFFFFFFF;
	(pc) =	sbr.abs _section_cstart, $3  }
0xd0: {  	[dreg:$0x1] =	wrdreg $0xFFFFFFFF  }
0xd1: {  	_ =	task.clear_ibuf [dreg:s22], $0x2FFFF;
	_ =	strace $0x9FFFFFFF  }
0xd2: {  	(tm) =	ssettm $0x7FFFFFFF  }
0xd3: {  	_ =	shalt  }
tec
execute0_lowered:
.L_overlay_start_1:
0x0: {  	(tag) =	ssettag $0x1  }
0x1: {  	s5 =	rddreg [dreg:$0x0]  }
0x2: {  	s1 =	srdreg.scid;
	s2 =	rddreg [dreg:$0x1]  }
0x3: {  	s0 =	stileid.u32;
	s3 =	rddreg [dreg:$0x2]  }
0x4: {  	s4 =	simm.s32 $0x0;
	s13 =	simm.s32 $0x80;
	s14 =	simm.s32 $0x0  }
0x5: {  	s6 =	sand.u32 $0x1, s1;
	s28 =	sshll.u32 s0, $0x1;
	s8 =	smul.u32 $0x14000, s0  }
0x6: {  	[smem:$0x7FF] =	sst s4;
	s29 =	smul.u32 $0x50000, s0;
	s31 =	sshll.u32 s0, $0x6  }
0x7: {  	s1 =	sor.u32 s6, s28;
	s9 =	smul.u32 $0x140000, s6;
	s6 =	ssub.s32 $0x2, s6  }
0x8: {  	s7 =	smul.u32 $0x500, s1;
	s1 =	rddreg [dreg:$0x3];
	_ =	strace $0x8000004A  }
0x9: {  	s10 =	sshrl.u32 s8, $0x3;
	s11 =	sshrl.u32 s6, $0x1;
	s30 =	sshrl.u32 s29, $0x2  }
0xa: {  	s8 =	sadd.s32 s8, s9;
	s10 =	sadd.s32 s10, s5;
	s11 =	ssub.s32 s6, s11  }
0xb: {  	s12 =	sadd.s32 s30, s3;
	s6 =	sor.u32 $0x1C01, s31;
	s7 =	sadd.s32 s7, s5  }
0xc: {  	s8 =	sshrl.u32 s8, $0x3;
	s9 =	smax.u32 s11, $0x1;
	s11 =	simm.s32 $0x1  }
0xd: {  	s8 =	sadd.s32 s8, s5;
	s5 =	sadd.s32 $0x16C00, s10;
	s7 =	sadd.s32 $0x2C00, s7  }
0xe: {  	s10 =	sshrl.u32 s12, $0x3;
	s12 =	simm.s32 $0x2800;
	s8 =	sadd.s32 $0x8EC00, s8  }
.LBB2_1:
0xf: {  	[spmem:s10], [sflag:s6] =	dma.local [hbm:s5], $0x2800  }
0x10: {  	_ =	swait.ge [sflag:s11], $0x2800  }
0x11: {  	[sflag:s11] =	ssyncset.done $0x0  }
0x12: {  	[sflag:s11] =	ssyncadd.s32 $0xFFFFD800  }
0x13: {  	[tilespmem:s12], [sflag:$0x1] =	stream.linear.gather [hbm4b:s2+s4], $0x4000, $0x38;
	[tilespmem:$0x1A800] =	vst v63  }
0x14: {  	_ =	swait.ge [sflag:s11], $0x4000  }
0x15: {  	[sflag:s11] =	ssyncset.done $0x0  }
0x16: {  	[sflag:s11] =	ssyncadd.s32 $0xFFFFC000  }
0x17: {  	[bflag:$0x0] =	sbarrier.arrive $0xFFFF  }
0x18: {  	[tilespmem:s4], [sflag:$0x1] =	stream.linear.gather [hbm4b:s7+s4], $0x2800, $0x38;
	[tilespmem:$0x1A800] =	vst v63  }
0x19: {  	_ =	swait.ge [sflag:s11], $0x2800  }
0x1a: {  	[sflag:s11] =	ssyncset.done $0x0  }
0x1b: {  	s15 =	simm.s32 $0x0;
	[sflag:s11] =	ssyncadd.s32 $0xFFFFD800  }
0x1c: {  	[spmem:s3] =	stream.indirect.scatter.add.f32 [tilespmem:s12], [sflag:$0x1], $0x80, s15, s13, $0xb8;
	[tilespmem:$0x1A800] =	vst v63  }
0x1d: {  	_ =	swait.ge [sflag:s11], $0x4000  }
0x1e: {  	s15 =	simm.s32 $0x200;
	[sflag:s11] =	ssyncset.done $0x0  }
.LBB2_2:
0x1f: {  	s16 =	sshra.s32 s15, $0x2;
	[sflag:s11] =	ssyncadd.s32 $0xFFFFC000;
	p0 =	sne.s32 s15, $0x9E00  }
0x20: {  	[spmem:s3] =	stream.indirect.scatter.add.f32 [tilespmem:s12], [sflag:$0x1], $0x80, s16, s13, $0xb8;
	[tilespmem:$0x1A800] =	vst v63  }
.Ltmp0:
0x21: {  	_ = 	snop;
	(pc) =	sbr.rel @p0 .LBB2_2-.Ltmp0, $4  }
0x22: {  	_ = 	snop  }
0x23: {  	s15 =	sadd.s32 $0x200, s15  }
0x24: {  	_ =	swait.ge [sflag:s11], $0x4000  }
0x25: {  	[sflag:s11] =	ssyncset.done $0x0  }
0x26: {  	s14 =	sadd.s32 $0x1, s14  }
0x27: {  	[sflag:s11] =	ssyncadd.s32 $0xFFFFC000;
	p0 =	sne.s32 s14, s9  }
.Ltmp1:
0x28: {  	[bflag:$0x0] =	sbarrier.arrive $0xFFFF;
	(pc) =	sbr.rel @p0 .LBB2_1-.Ltmp1, $4  }
0x29: {  	[hbm:s8], [sflag:s6] =	dma.local [spmem:s10], $0x2800  }
0x2a: {  	_ =	swait.ge [sflag:s11], $0x2800  }
0x2b: {  	[sflag:s11] =	ssyncset.done $0x0  }
0x2c: {  	[sflag:s11] =	ssyncadd.s32 $0xFFFFD800  }
0x2d: {  	_ =	sfence.sel $0x180000  }
0x2e: {  	[bflag:$0x0] =	sbarrier.arrive $0xFFFF  }
0x2f: {  	p0 =	sne.s32 s0, $0x0;
	_ =	strace $0x9000004A  }
0x30: {  	s0 =	sadd.s32 @!p0 $0x100000, s1;
	[bflag:$0x2] =	sbarrier.arrive $0xFFFF  }
0x31: {  	[sflag:s0] =	ssyncadd.tile.s32 @!p0 $0x1;
	_ =	shalt  }
.Lfunc_end2:
_tile_overlayer_lowered:
.L_overlay_start_2:
0x32: {  	(tag) =	ssettag $0x2  }
0x33: {  	s0 =	rddreg [dreg:$0x0];
	s2 =	stileid.u32  }
0x34: {  	s1 =	rddreg [dreg:$0x1];
	p0 =	sne.s32 s2, $0x0  }
0x35: {  	s3 =	rddreg [dreg:$0x2];
	[bflag:$0x3] =	sbarrier.arrive $0xFFFF;
	s2 =	simm.s32 @!p0 $0x1C01  }
0x36: {  	[timem:s3], [sflag:s2] =	dma.local @!p0 [hbm:s0], s1  }
0x37: {  	s0 =	simm.s32 @!p0 $0x1  }
0x38: {  	_ =	swait.ge @!p0 [sflag:s0], s1  }
0x39: {  	s1 =	ssub.s32 @!p0 $0x0, s1;
	[sflag:s0] =	ssyncset.done @!p0 $0x0  }
0x3a: {  	[sflag:s0] =	ssyncadd.s32 @!p0 s1  }
0x3b: {  	[bflag:$0x3] =	sbarrier.arrive $0xFFFF  }
0x3c: {  	_ =	shalt  }

</sc_bundles>
